<compile_context>
chip_gen: v7x
topology: tpu7x:2x2x1
jax: 0.10.2.dev20260603
libtpu: 0.0.44.dev20260713+nightly
codegen_flags: <defaults>
</compile_context>

<pallas_src>
import functools

import jax
import jax.numpy as jnp
from jax import lax
from jax.experimental import pallas as pl
from jax.experimental.pallas import tpu as pltpu
from jax.experimental.pallas import tpu_sc as plsc

B = 4
C = 8
S = 4096
V = 2048
H = 1024

NC = 2
NS = 16
NW = NC * NS

ROWS = B * S
RPW = ROWS // NW
NR = 2
NCHUNK = RPW // NR
GROWS = NR * C
NBUF = 4
LANES = 16


def _emb_body(tab, ids, out, idx_v, *bufs):
    wid = lax.axis_index("s") * NC + lax.axis_index("c")
    base = wid * RPW

    gbufs = bufs[0:NBUF]
    obufs = bufs[NBUF:2 * NBUF]
    gsems = bufs[2 * NBUF:3 * NBUF]
    osems = bufs[3 * NBUF:4 * NBUF]

    pltpu.sync_copy(ids.at[pl.ds(base * C, RPW * C)], idx_v)

    lane = lax.iota(jnp.int32, 16)
    off = (lane & (C - 1)) * V

    @plsc.parallel_loop(0, (RPW * C) // LANES, unroll=4)
    def add_off(j):
        sl = pl.ds(j * LANES, LANES)
        idx_v[sl] = idx_v[sl] + off

    def gather(c, slot):
        return pltpu.make_async_copy(
            tab.at[idx_v.at[pl.ds(c * GROWS, GROWS)]], gbufs[slot], gsems[slot]
        )

    def out_copy(c, slot):
        return pltpu.make_async_copy(
            obufs[slot], out.at[pl.ds(base + c * NR, NR)], osems[slot]
        )

    for b in range(NBUF):
        gather(b, b).start()

    def chunk_step(c, slot):
        gather(c, slot).wait()

        @pl.when(c >= NBUF)
        def _():
            out_copy(c - NBUF, slot).wait()

        gb = gbufs[slot]
        ob = obufs[slot]
        for r in range(NR):
            @plsc.parallel_loop(0, H // LANES, unroll=4)
            def acc_body(h):
                sl = pl.ds(h * LANES, LANES)
                acc = gb[r * C, sl]
                for k in range(1, C):
                    acc = acc + gb[r * C + k, sl]
                ob[r, sl] = acc

        out_copy(c, slot).start()

        @pl.when(c + NBUF < NCHUNK)
        def _():
            gather(c + NBUF, slot).start()

    def loop_body(g, carry):
        for b in range(NBUF):
            chunk_step(g * NBUF + b, b)
        return carry

    main = (NCHUNK // NBUF) * NBUF
    lax.fori_loop(0, NCHUNK // NBUF, loop_body, None)
    for c in range(main, NCHUNK):
        chunk_step(c, c % NBUF)

    for c in range(NCHUNK - NBUF, NCHUNK):
        out_copy(c, c % NBUF).wait()


_emb_kernel = functools.partial(
    pl.kernel,
    mesh=plsc.VectorSubcoreMesh(core_axis_name="c", subcore_axis_name="s"),
    out_type=jax.ShapeDtypeStruct((ROWS, H), jnp.float32),
    scratch_types=(
        [pltpu.VMEM((RPW * C,), jnp.int32)]
        + [pltpu.VMEM((GROWS, H), jnp.float32) for _ in range(NBUF)]
        + [pltpu.VMEM((NR, H), jnp.float32) for _ in range(NBUF)]
        + [pltpu.SemaphoreType.DMA for _ in range(2 * NBUF)]
    ),
)(_emb_body)


@jax.jit
def kernel(input_ids, tables):
    ids = input_ids.astype(jnp.int32).transpose(0, 2, 1).reshape(-1)
    tab = tables.reshape(C * V, H)
    out = _emb_kernel(tab, ids)
    return out.reshape(B, S, H)

# --- scband reference (transcript-rebuilt; emitter-appended) ---
"""Pipeline reference for scband-wave-ai-59562606460994 (READ-ONLY COPY).

The authoritative reference and input builder live on the scoring server;
editing this copy changes nothing except your own understanding.
"""

import jax, jax.numpy as jnp
import numpy as np

BATCH = 4
NUM_CODEBOOKS = 8
SEQ_LEN = 4096
CODEBOOK_SIZE = 2048
HIDDEN = 1024


def setup_inputs(seed: int = 0) -> dict:
    key = jax.random.key(seed)
    k1, k2 = jax.random.split(key)
    input_ids = jax.random.randint(k1, (BATCH, NUM_CODEBOOKS, SEQ_LEN), 0, CODEBOOK_SIZE, dtype=jnp.int64 if jax.config.jax_enable_x64 else jnp.int32)
    # Learned parameters: one embedding table per codebook, stacked.
    tables = jax.random.normal(k2, (NUM_CODEBOOKS, CODEBOOK_SIZE, HIDDEN), dtype=jnp.float32) * 0.02
    return {"input_ids": input_ids, "tables": tables}


def reference(input_ids, tables):
    # WaveAI / MusicGen-style forward: sum of per-codebook embedding lookups.
    # input_ids: [B, num_codebooks, S]; tables: [num_codebooks, codebook_size, H]
    num_codebooks = tables.shape[0]
    out = jnp.zeros((input_ids.shape[0], input_ids.shape[2], tables.shape[2]), dtype=tables.dtype)
    for i in range(num_codebooks):
        out = out + jnp.take(tables[i], input_ids[:, i, :], axis=0)
    return out

if __name__ == "__main__":
    import jax
    _d = setup_inputs()
    print(jax.jit(kernel)(*tuple(_d.values())))

</pallas_src>

<mosaic_0001>
#map = affine_map<(d0, d1) -> (0, 0)>
#map1 = affine_map<(d0, d1) -> (0)>
module attributes {stable_mosaic.version = 14 : i64} {
  func.func @_emb_body(%arg0: i32, %arg1: i32, %arg2: memref<16384x1024xf32, #tpu.memory_space<hbm>>, %arg3: memref<131072xi32, #tpu.memory_space<hbm>>, %arg4: memref<16384x1024xf32, #tpu.memory_space<hbm>>, %arg5: memref<4096xi32, #tpu.memory_space<vmem>>, %arg6: memref<16x1024xf32, #tpu.memory_space<vmem>>, %arg7: memref<16x1024xf32, #tpu.memory_space<vmem>>, %arg8: memref<16x1024xf32, #tpu.memory_space<vmem>>, %arg9: memref<16x1024xf32, #tpu.memory_space<vmem>>, %arg10: memref<2x1024xf32, #tpu.memory_space<vmem>>, %arg11: memref<2x1024xf32, #tpu.memory_space<vmem>>, %arg12: memref<2x1024xf32, #tpu.memory_space<vmem>>, %arg13: memref<2x1024xf32, #tpu.memory_space<vmem>>, %arg14: memref<!tpu.dma_semaphore, #tpu.memory_space<semaphore_mem>>, %arg15: memref<!tpu.dma_semaphore, #tpu.memory_space<semaphore_mem>>, %arg16: memref<!tpu.dma_semaphore, #tpu.memory_space<semaphore_mem>>, %arg17: memref<!tpu.dma_semaphore, #tpu.memory_space<semaphore_mem>>, %arg18: memref<!tpu.dma_semaphore, #tpu.memory_space<semaphore_mem>>, %arg19: memref<!tpu.dma_semaphore, #tpu.memory_space<semaphore_mem>>, %arg20: memref<!tpu.dma_semaphore, #tpu.memory_space<semaphore_mem>>, %arg21: memref<!tpu.dma_semaphore, #tpu.memory_space<semaphore_mem>>) attributes {dimension_semantics = [#tpu.dimension_semantics<core_parallel>, #tpu.dimension_semantics<subcore_parallel>], iteration_bounds = array<i64: 2, 16>, scalar_prefetch = 0 : i64, scratch_operands = 17 : i64, tpu.core_type = #tpu.core_type<sc_vector_subcore>, window_params = [{transform_indices = #map}, {transform_indices = #map1}, {transform_indices = #map}]} {
    %mul3A = arith.constant 2 : i32
    %mul3A_0 = arith.muli %arg1, %mul3A : i32
    %add3A = arith.addi %mul3A_0, %arg0 : i32
    %mul3A_1 = arith.constant 512 : i32
    %mul3A_2 = arith.muli %add3A, %mul3A_1 : i32
    %mul3A_3 = arith.constant 8 : i32
    %mul3A_4 = arith.muli %mul3A_2, %mul3A_3 : i32
    "tpu.region"() ({
      %run_scoped3A = tpu.sem_alloc : memref<!tpu.dma_semaphore, #tpu.memory_space<semaphore_mem>>
      %dma_start3A_58 = tpu.memref_slice %arg3[%mul3A_4] : memref<131072xi32, #tpu.memory_space<hbm>> -> memref<4096xi32, #tpu.memory_space<hbm>>
      %dma_start3A_59 = tpu.memref_slice %arg3[%mul3A_4] : memref<131072xi32, #tpu.memory_space<hbm>> -> memref<4096xi32, #tpu.memory_space<hbm>>
      tpu.enqueue_dma source(%dma_start3A_59 : memref<4096xi32, #tpu.memory_space<hbm>>) target(%arg5 : memref<4096xi32, #tpu.memory_space<vmem>>) target_semaphore(%run_scoped3A : memref<!tpu.dma_semaphore, #tpu.memory_space<semaphore_mem>>)
      %dma_wait3A_60 = tpu.memref_slice %arg3[%mul3A_4] : memref<131072xi32, #tpu.memory_space<hbm>> -> memref<4096xi32, #tpu.memory_space<hbm>>
      %dma_wait3A_61 = tpu.memref_slice %arg3[%mul3A_4] : memref<131072xi32, #tpu.memory_space<hbm>> -> memref<4096xi32, #tpu.memory_space<hbm>>
      tpu.wait_dma2 semaphore(%run_scoped3A : memref<!tpu.dma_semaphore, #tpu.memory_space<semaphore_mem>>) src(%dma_wait3A_61 : memref<4096xi32, #tpu.memory_space<hbm>>) dst(%arg5 : memref<4096xi32, #tpu.memory_space<vmem>>)
      tpu.yield
    }) : () -> ()
    %iota3A = tpu.iota {dimensions = array<i32: 0>} : vector<16xi32>
    %and3A = arith.constant 7 : i32
    %and3A_5 = vector.broadcast %and3A : i32 to vector<16xi32>
    %and3A_6 = arith.andi %iota3A, %and3A_5 : vector<16xi32>
    %mul3A_7 = arith.constant 2048 : i32
    %mul3A_8 = vector.broadcast %mul3A_7 : i32 to vector<16xi32>
    %mul3A_9 = arith.muli %and3A_6, %mul3A_8 : vector<16xi32>
    %parallel_loop3A = arith.constant 0 : i32
    %parallel_loop3A_10 = arith.constant 256 : i32
    %parallel_loop3A_11 = arith.constant 1 : i32
    scf.for %parallel_loop3A_58 = %parallel_loop3A to %parallel_loop3A_10 step %parallel_loop3A_11  : i32 {
      %parallel_loop3A_59 = arith.constant 16 : i32
      %parallel_loop3A_60 = arith.muli %parallel_loop3A_58, %parallel_loop3A_59 : i32
      %parallel_loop3A_61 = arith.index_cast %parallel_loop3A_60 : i32 to index
      %parallel_loop3A_62 = tpu.vector_load %arg5[%parallel_loop3A_61] {strides = array<i32>} : memref<4096xi32, #tpu.memory_space<vmem>>, vector<16xi32>,
      %parallel_loop3A_63 = vector.shape_cast %parallel_loop3A_62 : vector<16xi32> to vector<16xi32>
      %parallel_loop3A_64 = arith.addi %parallel_loop3A_63, %mul3A_9 : vector<16xi32>
      %parallel_loop3A_65 = arith.index_cast %parallel_loop3A_60 : i32 to index
      %parallel_loop3A_66 = tpu.vector_load %arg5[%parallel_loop3A_65] {strides = array<i32>} : memref<4096xi32, #tpu.memory_space<vmem>>, vector<16xi32>,
      %parallel_loop3A_67 = vector.shape_cast %parallel_loop3A_66 : vector<16xi32> to vector<16xi32>
      %parallel_loop3A_68 = vector.shape_cast %parallel_loop3A_64 : vector<16xi32> to vector<16xi32>
      tpu.vector_store %arg5[%parallel_loop3A_65], %parallel_loop3A_68 {strides = array<i32>} : memref<4096xi32, #tpu.memory_space<vmem>>, vector<16xi32>,
    } {sc.loop_unroll_factor = 4 : i64, sc.parallel_access}
    %dma_start3A = arith.constant 0 : i32
    %dma_start3A_12 = tpu.memref_slice %arg5[%dma_start3A] : memref<4096xi32, #tpu.memory_space<vmem>> -> memref<16xi32, #tpu.memory_space<vmem>>
    %dma_start3A_13 = arith.constant 0 : i32
    %dma_start3A_14 = arith.constant 0 : i32
    %dma_start3A_15 = tpu.memref_slice %arg2[%dma_start3A_13, %dma_start3A_14] : memref<16384x1024xf32, #tpu.memory_space<hbm>> -> memref<16384x1024xf32, #tpu.memory_space<hbm>>
    tpu.enqueue_indirect_dma source(%dma_start3A_15 : memref<16384x1024xf32, #tpu.memory_space<hbm>>) target(%arg6 : memref<16x1024xf32, #tpu.memory_space<vmem>>) offsets(%dma_start3A_12 : memref<16xi32, #tpu.memory_space<vmem>>) semaphore(%arg14 : memref<!tpu.dma_semaphore, #tpu.memory_space<semaphore_mem>>)
    %dma_start3A_16 = arith.constant 16 : i32
    %dma_start3A_17 = tpu.memref_slice %arg5[%dma_start3A_16] : memref<4096xi32, #tpu.memory_space<vmem>> -> memref<16xi32, #tpu.memory_space<vmem>>
    %dma_start3A_18 = arith.constant 0 : i32
    %dma_start3A_19 = arith.constant 0 : i32
    %dma_start3A_20 = tpu.memref_slice %arg2[%dma_start3A_18, %dma_start3A_19] : memref<16384x1024xf32, #tpu.memory_space<hbm>> -> memref<16384x1024xf32, #tpu.memory_space<hbm>>
    tpu.enqueue_indirect_dma source(%dma_start3A_20 : memref<16384x1024xf32, #tpu.memory_space<hbm>>) target(%arg7 : memref<16x1024xf32, #tpu.memory_space<vmem>>) offsets(%dma_start3A_17 : memref<16xi32, #tpu.memory_space<vmem>>) semaphore(%arg15 : memref<!tpu.dma_semaphore, #tpu.memory_space<semaphore_mem>>)
    %dma_start3A_21 = arith.constant 32 : i32
    %dma_start3A_22 = tpu.memref_slice %arg5[%dma_start3A_21] : memref<4096xi32, #tpu.memory_space<vmem>> -> memref<16xi32, #tpu.memory_space<vmem>>
    %dma_start3A_23 = arith.constant 0 : i32
    %dma_start3A_24 = arith.constant 0 : i32
    %dma_start3A_25 = tpu.memref_slice %arg2[%dma_start3A_23, %dma_start3A_24] : memref<16384x1024xf32, #tpu.memory_space<hbm>> -> memref<16384x1024xf32, #tpu.memory_space<hbm>>
    tpu.enqueue_indirect_dma source(%dma_start3A_25 : memref<16384x1024xf32, #tpu.memory_space<hbm>>) target(%arg8 : memref<16x1024xf32, #tpu.memory_space<vmem>>) offsets(%dma_start3A_22 : memref<16xi32, #tpu.memory_space<vmem>>) semaphore(%arg16 : memref<!tpu.dma_semaphore, #tpu.memory_space<semaphore_mem>>)
    %dma_start3A_26 = arith.constant 48 : i32
    %dma_start3A_27 = tpu.memref_slice %arg5[%dma_start3A_26] : memref<4096xi32, #tpu.memory_space<vmem>> -> memref<16xi32, #tpu.memory_space<vmem>>
    %dma_start3A_28 = arith.constant 0 : i32
    %dma_start3A_29 = arith.constant 0 : i32
    %dma_start3A_30 = tpu.memref_slice %arg2[%dma_start3A_28, %dma_start3A_29] : memref<16384x1024xf32, #tpu.memory_space<hbm>> -> memref<16384x1024xf32, #tpu.memory_space<hbm>>
    tpu.enqueue_indirect_dma source(%dma_start3A_30 : memref<16384x1024xf32, #tpu.memory_space<hbm>>) target(%arg9 : memref<16x1024xf32, #tpu.memory_space<vmem>>) offsets(%dma_start3A_27 : memref<16xi32, #tpu.memory_space<vmem>>) semaphore(%arg17 : memref<!tpu.dma_semaphore, #tpu.memory_space<semaphore_mem>>)
    %scan3A = arith.constant 0 : i32
    %scan3A_31 = arith.constant 64 : i32
    %scan3A_32 = arith.addi %scan3A, %scan3A_31 : i32
    %scan3A_33 = arith.constant 1 : i32
    scf.for %scan3A_58 = %scan3A to %scan3A_32 step %scan3A_33  : i32 {
      %mul3A_59 = arith.constant 4 : i32
      %mul3A_60 = arith.muli %scan3A_58, %mul3A_59 : i32
      %add3A_61 = arith.constant 0 : i32
      %add3A_62 = arith.addi %mul3A_60, %add3A_61 : i32
      %mul3A_63 = arith.constant 16 : i32
      %mul3A_64 = arith.muli %add3A_62, %mul3A_63 : i32
      %dma_wait3A_65 = tpu.memref_slice %arg5[%mul3A_64] : memref<4096xi32, #tpu.memory_space<vmem>> -> memref<16xi32, #tpu.memory_space<vmem>>
      %dma_wait3A_66 = arith.constant 0 : i32
      %dma_wait3A_67 = arith.constant 0 : i32
      %dma_wait3A_68 = tpu.memref_slice %arg2[%dma_wait3A_66, %dma_wait3A_67] : memref<16384x1024xf32, #tpu.memory_space<hbm>> -> memref<16384x1024xf32, #tpu.memory_space<hbm>>
      tpu.wait_indirect_dma semaphore(%arg14 : memref<!tpu.dma_semaphore, #tpu.memory_space<semaphore_mem>>) src(%dma_wait3A_68 : memref<16384x1024xf32, #tpu.memory_space<hbm>>) dst(%arg6 : memref<16x1024xf32, #tpu.memory_space<vmem>>)
      %ge3A = arith.constant 4 : i32
      %ge3A_69 = arith.cmpi sge, %add3A_62, %ge3A : i32
      %convert_element_type3A = arith.extui %ge3A_69 : i1 to i32
      %cond3A = arith.constant 0 : i32
      %cond3A_70 = arith.cmpi ne, %convert_element_type3A, %cond3A : i32
      scf.if %cond3A_70 {
        %sub3A = arith.constant 4 : i32
        %sub3A_195 = arith.subi %add3A_62, %sub3A : i32
        %mul3A_196 = arith.constant 2 : i32
        %mul3A_197 = arith.muli %sub3A_195, %mul3A_196 : i32
        %add3A_198 = arith.addi %mul3A_2, %mul3A_197 : i32
        %dma_wait3A_199 = arith.constant 0 : i32
        %dma_wait3A_200 = tpu.memref_slice %arg4[%add3A_198, %dma_wait3A_199] : memref<16384x1024xf32, #tpu.memory_space<hbm>> -> memref<2x1024xf32, #tpu.memory_space<hbm>>
        %dma_wait3A_201 = arith.constant 0 : i32
        %dma_wait3A_202 = tpu.memref_slice %arg4[%add3A_198, %dma_wait3A_201] : memref<16384x1024xf32, #tpu.memory_space<hbm>> -> memref<2x1024xf32, #tpu.memory_space<hbm>>
        tpu.wait_dma2 semaphore(%arg18 : memref<!tpu.dma_semaphore, #tpu.memory_space<semaphore_mem>>) src(%arg10 : memref<2x1024xf32, #tpu.memory_space<vmem>>) dst(%dma_wait3A_202 : memref<2x1024xf32, #tpu.memory_space<hbm>>)
      } else {
      }
      %parallel_loop3A_71 = arith.constant 0 : i32
      %parallel_loop3A_72 = arith.constant 64 : i32
      %parallel_loop3A_73 = arith.constant 1 : i32
      scf.for %parallel_loop3A_195 = %parallel_loop3A_71 to %parallel_loop3A_72 step %parallel_loop3A_73  : i32 {
        %parallel_loop3A_196 = arith.constant 16 : i32
        %parallel_loop3A_197 = arith.muli %parallel_loop3A_195, %parallel_loop3A_196 : i32
        %parallel_loop3A_198 = arith.constant 0 : i32
        %parallel_loop3A_199 = arith.index_cast %parallel_loop3A_198 : i32 to index
        %parallel_loop3A_200 = arith.index_cast %parallel_loop3A_197 : i32 to index
        %parallel_loop3A_201 = tpu.vector_load %arg6[%parallel_loop3A_199, %parallel_loop3A_200] {strides = array<i32>} : memref<16x1024xf32, #tpu.memory_space<vmem>>, vector<1x16xf32>,
        %parallel_loop3A_202 = vector.shape_cast %parallel_loop3A_201 : vector<1x16xf32> to vector<16xf32>
        %parallel_loop3A_203 = arith.constant 1 : i32
        %parallel_loop3A_204 = arith.index_cast %parallel_loop3A_203 : i32 to index
        %parallel_loop3A_205 = arith.index_cast %parallel_loop3A_197 : i32 to index
        %parallel_loop3A_206 = tpu.vector_load %arg6[%parallel_loop3A_204, %parallel_loop3A_205] {strides = array<i32>} : memref<16x1024xf32, #tpu.memory_space<vmem>>, vector<1x16xf32>,
        %parallel_loop3A_207 = vector.shape_cast %parallel_loop3A_206 : vector<1x16xf32> to vector<16xf32>
        %parallel_loop3A_208 = arith.addf %parallel_loop3A_202, %parallel_loop3A_207 : vector<16xf32>
        %parallel_loop3A_209 = arith.constant 2 : i32
        %parallel_loop3A_210 = arith.index_cast %parallel_loop3A_209 : i32 to index
        %parallel_loop3A_211 = arith.index_cast %parallel_loop3A_197 : i32 to index
        %parallel_loop3A_212 = tpu.vector_load %arg6[%parallel_loop3A_210, %parallel_loop3A_211] {strides = array<i32>} : memref<16x1024xf32, #tpu.memory_space<vmem>>, vector<1x16xf32>,
        %parallel_loop3A_213 = vector.shape_cast %parallel_loop3A_212 : vector<1x16xf32> to vector<16xf32>
        %parallel_loop3A_214 = arith.addf %parallel_loop3A_208, %parallel_loop3A_213 : vector<16xf32>
        %parallel_loop3A_215 = arith.constant 3 : i32
        %parallel_loop3A_216 = arith.index_cast %parallel_loop3A_215 : i32 to index
        %parallel_loop3A_217 = arith.index_cast %parallel_loop3A_197 : i32 to index
        %parallel_loop3A_218 = tpu.vector_load %arg6[%parallel_loop3A_216, %parallel_loop3A_217] {strides = array<i32>} : memref<16x1024xf32, #tpu.memory_space<vmem>>, vector<1x16xf32>,
        %parallel_loop3A_219 = vector.shape_cast %parallel_loop3A_218 : vector<1x16xf32> to vector<16xf32>
        %parallel_loop3A_220 = arith.addf %parallel_loop3A_214, %parallel_loop3A_219 : vector<16xf32>
        %parallel_loop3A_221 = arith.constant 4 : i32
        %parallel_loop3A_222 = arith.index_cast %parallel_loop3A_221 : i32 to index
        %parallel_loop3A_223 = arith.index_cast %parallel_loop3A_197 : i32 to index
        %parallel_loop3A_224 = tpu.vector_load %arg6[%parallel_loop3A_222, %parallel_loop3A_223] {strides = array<i32>} : memref<16x1024xf32, #tpu.memory_space<vmem>>, vector<1x16xf32>,
        %parallel_loop3A_225 = vector.shape_cast %parallel_loop3A_224 : vector<1x16xf32> to vector<16xf32>
        %parallel_loop3A_226 = arith.addf %parallel_loop3A_220, %parallel_loop3A_225 : vector<16xf32>
        %parallel_loop3A_227 = arith.constant 5 : i32
        %parallel_loop3A_228 = arith.index_cast %parallel_loop3A_227 : i32 to index
        %parallel_loop3A_229 = arith.index_cast %parallel_loop3A_197 : i32 to index
        %parallel_loop3A_230 = tpu.vector_load %arg6[%parallel_loop3A_228, %parallel_loop3A_229] {strides = array<i32>} : memref<16x1024xf32, #tpu.memory_space<vmem>>, vector<1x16xf32>,
        %parallel_loop3A_231 = vector.shape_cast %parallel_loop3A_230 : vector<1x16xf32> to vector<16xf32>
        %parallel_loop3A_232 = arith.addf %parallel_loop3A_226, %parallel_loop3A_231 : vector<16xf32>
        %parallel_loop3A_233 = arith.constant 6 : i32
        %parallel_loop3A_234 = arith.index_cast %parallel_loop3A_233 : i32 to index
        %parallel_loop3A_235 = arith.index_cast %parallel_loop3A_197 : i32 to index
        %parallel_loop3A_236 = tpu.vector_load %arg6[%parallel_loop3A_234, %parallel_loop3A_235] {strides = array<i32>} : memref<16x1024xf32, #tpu.memory_space<vmem>>, vector<1x16xf32>,
        %parallel_loop3A_237 = vector.shape_cast %parallel_loop3A_236 : vector<1x16xf32> to vector<16xf32>
        %parallel_loop3A_238 = arith.addf %parallel_loop3A_232, %parallel_loop3A_237 : vector<16xf32>
        %parallel_loop3A_239 = arith.constant 7 : i32
        %parallel_loop3A_240 = arith.index_cast %parallel_loop3A_239 : i32 to index
        %parallel_loop3A_241 = arith.index_cast %parallel_loop3A_197 : i32 to index
        %parallel_loop3A_242 = tpu.vector_load %arg6[%parallel_loop3A_240, %parallel_loop3A_241] {strides = array<i32>} : memref<16x1024xf32, #tpu.memory_space<vmem>>, vector<1x16xf32>,
        %parallel_loop3A_243 = vector.shape_cast %parallel_loop3A_242 : vector<1x16xf32> to vector<16xf32>
        %parallel_loop3A_244 = arith.addf %parallel_loop3A_238, %parallel_loop3A_243 : vector<16xf32>
        %parallel_loop3A_245 = arith.constant 0 : i32
        %parallel_loop3A_246 = arith.index_cast %parallel_loop3A_245 : i32 to index
        %parallel_loop3A_247 = arith.index_cast %parallel_loop3A_197 : i32 to index
        %parallel_loop3A_248 = tpu.vector_load %arg10[%parallel_loop3A_246, %parallel_loop3A_247] {strides = array<i32>} : memref<2x1024xf32, #tpu.memory_space<vmem>>, vector<1x16xf32>,
        %parallel_loop3A_249 = vector.shape_cast %parallel_loop3A_248 : vector<1x16xf32> to vector<16xf32>
        %parallel_loop3A_250 = vector.shape_cast %parallel_loop3A_244 : vector<16xf32> to vector<1x16xf32>
        tpu.vector_store %arg10[%parallel_loop3A_246, %parallel_loop3A_247], %parallel_loop3A_250 {strides = array<i32>} : memref<2x1024xf32, #tpu.memory_space<vmem>>, vector<1x16xf32>,
      } {sc.loop_unroll_factor = 4 : i64, sc.parallel_access}
      %parallel_loop3A_74 = arith.constant 0 : i32
      %parallel_loop3A_75 = arith.constant 64 : i32
      %parallel_loop3A_76 = arith.constant 1 : i32
      scf.for %parallel_loop3A_195 = %parallel_loop3A_74 to %parallel_loop3A_75 step %parallel_loop3A_76  : i32 {
        %parallel_loop3A_196 = arith.constant 16 : i32
        %parallel_loop3A_197 = arith.muli %parallel_loop3A_195, %parallel_loop3A_196 : i32
        %parallel_loop3A_198 = arith.constant 8 : i32
        %parallel_loop3A_199 = arith.index_cast %parallel_loop3A_198 : i32 to index
        %parallel_loop3A_200 = arith.index_cast %parallel_loop3A_197 : i32 to index
        %parallel_loop3A_201 = tpu.vector_load %arg6[%parallel_loop3A_199, %parallel_loop3A_200] {strides = array<i32>} : memref<16x1024xf32, #tpu.memory_space<vmem>>, vector<1x16xf32>,
        %parallel_loop3A_202 = vector.shape_cast %parallel_loop3A_201 : vector<1x16xf32> to vector<16xf32>
        %parallel_loop3A_203 = arith.constant 9 : i32
        %parallel_loop3A_204 = arith.index_cast %parallel_loop3A_203 : i32 to index
        %parallel_loop3A_205 = arith.index_cast %parallel_loop3A_197 : i32 to index
        %parallel_loop3A_206 = tpu.vector_load %arg6[%parallel_loop3A_204, %parallel_loop3A_205] {strides = array<i32>} : memref<16x1024xf32, #tpu.memory_space<vmem>>, vector<1x16xf32>,
        %parallel_loop3A_207 = vector.shape_cast %parallel_loop3A_206 : vector<1x16xf32> to vector<16xf32>
        %parallel_loop3A_208 = arith.addf %parallel_loop3A_202, %parallel_loop3A_207 : vector<16xf32>
        %parallel_loop3A_209 = arith.constant 10 : i32
        %parallel_loop3A_210 = arith.index_cast %parallel_loop3A_209 : i32 to index
        %parallel_loop3A_211 = arith.index_cast %parallel_loop3A_197 : i32 to index
        %parallel_loop3A_212 = tpu.vector_load %arg6[%parallel_loop3A_210, %parallel_loop3A_211] {strides = array<i32>} : memref<16x1024xf32, #tpu.memory_space<vmem>>, vector<1x16xf32>,
        %parallel_loop3A_213 = vector.shape_cast %parallel_loop3A_212 : vector<1x16xf32> to vector<16xf32>
        %parallel_loop3A_214 = arith.addf %parallel_loop3A_208, %parallel_loop3A_213 : vector<16xf32>
        %parallel_loop3A_215 = arith.constant 11 : i32
        %parallel_loop3A_216 = arith.index_cast %parallel_loop3A_215 : i32 to index
        %parallel_loop3A_217 = arith.index_cast %parallel_loop3A_197 : i32 to index
        %parallel_loop3A_218 = tpu.vector_load %arg6[%parallel_loop3A_216, %parallel_loop3A_217] {strides = array<i32>} : memref<16x1024xf32, #tpu.memory_space<vmem>>, vector<1x16xf32>,
        %parallel_loop3A_219 = vector.shape_cast %parallel_loop3A_218 : vector<1x16xf32> to vector<16xf32>
        %parallel_loop3A_220 = arith.addf %parallel_loop3A_214, %parallel_loop3A_219 : vector<16xf32>
        %parallel_loop3A_221 = arith.constant 12 : i32
        %parallel_loop3A_222 = arith.index_cast %parallel_loop3A_221 : i32 to index
        %parallel_loop3A_223 = arith.index_cast %parallel_loop3A_197 : i32 to index
        %parallel_loop3A_224 = tpu.vector_load %arg6[%parallel_loop3A_222, %parallel_loop3A_223] {strides = array<i32>} : memref<16x1024xf32, #tpu.memory_space<vmem>>, vector<1x16xf32>,
        %parallel_loop3A_225 = vector.shape_cast %parallel_loop3A_224 : vector<1x16xf32> to vector<16xf32>
        %parallel_loop3A_226 = arith.addf %parallel_loop3A_220, %parallel_loop3A_225 : vector<16xf32>
        %parallel_loop3A_227 = arith.constant 13 : i32
        %parallel_loop3A_228 = arith.index_cast %parallel_loop3A_227 : i32 to index
        %parallel_loop3A_229 = arith.index_cast %parallel_loop3A_197 : i32 to index
        %parallel_loop3A_230 = tpu.vector_load %arg6[%parallel_loop3A_228, %parallel_loop3A_229] {strides = array<i32>} : memref<16x1024xf32, #tpu.memory_space<vmem>>, vector<1x16xf32>,
        %parallel_loop3A_231 = vector.shape_cast %parallel_loop3A_230 : vector<1x16xf32> to vector<16xf32>
        %parallel_loop3A_232 = arith.addf %parallel_loop3A_226, %parallel_loop3A_231 : vector<16xf32>
        %parallel_loop3A_233 = arith.constant 14 : i32
        %parallel_loop3A_234 = arith.index_cast %parallel_loop3A_233 : i32 to index
        %parallel_loop3A_235 = arith.index_cast %parallel_loop3A_197 : i32 to index
        %parallel_loop3A_236 = tpu.vector_load %arg6[%parallel_loop3A_234, %parallel_loop3A_235] {strides = array<i32>} : memref<16x1024xf32, #tpu.memory_space<vmem>>, vector<1x16xf32>,
        %parallel_loop3A_237 = vector.shape_cast %parallel_loop3A_236 : vector<1x16xf32> to vector<16xf32>
        %parallel_loop3A_238 = arith.addf %parallel_loop3A_232, %parallel_loop3A_237 : vector<16xf32>
        %parallel_loop3A_239 = arith.constant 15 : i32
        %parallel_loop3A_240 = arith.index_cast %parallel_loop3A_239 : i32 to index
        %parallel_loop3A_241 = arith.index_cast %parallel_loop3A_197 : i32 to index
        %parallel_loop3A_242 = tpu.vector_load %arg6[%parallel_loop3A_240, %parallel_loop3A_241] {strides = array<i32>} : memref<16x1024xf32, #tpu.memory_space<vmem>>, vector<1x16xf32>,
        %parallel_loop3A_243 = vector.shape_cast %parallel_loop3A_242 : vector<1x16xf32> to vector<16xf32>
        %parallel_loop3A_244 = arith.addf %parallel_loop3A_238, %parallel_loop3A_243 : vector<16xf32>
        %parallel_loop3A_245 = arith.constant 1 : i32
        %parallel_loop3A_246 = arith.index_cast %parallel_loop3A_245 : i32 to index
        %parallel_loop3A_247 = arith.index_cast %parallel_loop3A_197 : i32 to index
        %parallel_loop3A_248 = tpu.vector_load %arg10[%parallel_loop3A_246, %parallel_loop3A_247] {strides = array<i32>} : memref<2x1024xf32, #tpu.memory_space<vmem>>, vector<1x16xf32>,
        %parallel_loop3A_249 = vector.shape_cast %parallel_loop3A_248 : vector<1x16xf32> to vector<16xf32>
        %parallel_loop3A_250 = vector.shape_cast %parallel_loop3A_244 : vector<16xf32> to vector<1x16xf32>
        tpu.vector_store %arg10[%parallel_loop3A_246, %parallel_loop3A_247], %parallel_loop3A_250 {strides = array<i32>} : memref<2x1024xf32, #tpu.memory_space<vmem>>, vector<1x16xf32>,
      } {sc.loop_unroll_factor = 4 : i64, sc.parallel_access}
      %mul3A_77 = arith.constant 2 : i32
      %mul3A_78 = arith.muli %add3A_62, %mul3A_77 : i32
      %add3A_79 = arith.addi %mul3A_2, %mul3A_78 : i32
      %dma_start3A_80 = arith.constant 0 : i32
      %dma_start3A_81 = tpu.memref_slice %arg4[%add3A_79, %dma_start3A_80] : memref<16384x1024xf32, #tpu.memory_space<hbm>> -> memref<2x1024xf32, #tpu.memory_space<hbm>>
      %dma_start3A_82 = arith.constant 0 : i32
      %dma_start3A_83 = tpu.memref_slice %arg4[%add3A_79, %dma_start3A_82] : memref<16384x1024xf32, #tpu.memory_space<hbm>> -> memref<2x1024xf32, #tpu.memory_space<hbm>>
      tpu.enqueue_dma source(%arg10 : memref<2x1024xf32, #tpu.memory_space<vmem>>) target(%dma_start3A_83 : memref<2x1024xf32, #tpu.memory_space<hbm>>) target_semaphore(%arg18 : memref<!tpu.dma_semaphore, #tpu.memory_space<semaphore_mem>>)
      %add3A_84 = arith.constant 4 : i32
      %add3A_85 = arith.addi %add3A_62, %add3A_84 : i32
      %lt3A = arith.constant 256 : i32
      %lt3A_86 = arith.cmpi slt, %add3A_85, %lt3A : i32
      %convert_element_type3A_87 = arith.extui %lt3A_86 : i1 to i32
      %cond3A_88 = arith.constant 0 : i32
      %cond3A_89 = arith.cmpi ne, %convert_element_type3A_87, %cond3A_88 : i32
      scf.if %cond3A_89 {
        %add3A_195 = arith.constant 4 : i32
        %add3A_196 = arith.addi %add3A_62, %add3A_195 : i32
        %mul3A_197 = arith.constant 16 : i32
        %mul3A_198 = arith.muli %add3A_196, %mul3A_197 : i32
        %dma_start3A_199 = tpu.memref_slice %arg5[%mul3A_198] : memref<4096xi32, #tpu.memory_space<vmem>> -> memref<16xi32, #tpu.memory_space<vmem>>
        %dma_start3A_200 = arith.constant 0 : i32
        %dma_start3A_201 = arith.constant 0 : i32
        %dma_start3A_202 = tpu.memref_slice %arg2[%dma_start3A_200, %dma_start3A_201] : memref<16384x1024xf32, #tpu.memory_space<hbm>> -> memref<16384x1024xf32, #tpu.memory_space<hbm>>
        tpu.enqueue_indirect_dma source(%dma_start3A_202 : memref<16384x1024xf32, #tpu.memory_space<hbm>>) target(%arg6 : memref<16x1024xf32, #tpu.memory_space<vmem>>) offsets(%dma_start3A_199 : memref<16xi32, #tpu.memory_space<vmem>>) semaphore(%arg14 : memref<!tpu.dma_semaphore, #tpu.memory_space<semaphore_mem>>)
      } else {
      }
      %mul3A_90 = arith.constant 4 : i32
      %mul3A_91 = arith.muli %scan3A_58, %mul3A_90 : i32
      %add3A_92 = arith.constant 1 : i32
      %add3A_93 = arith.addi %mul3A_91, %add3A_92 : i32
      %mul3A_94 = arith.constant 16 : i32
      %mul3A_95 = arith.muli %add3A_93, %mul3A_94 : i32
      %dma_wait3A_96 = tpu.memref_slice %arg5[%mul3A_95] : memref<4096xi32, #tpu.memory_space<vmem>> -> memref<16xi32, #tpu.memory_space<vmem>>
      %dma_wait3A_97 = arith.constant 0 : i32
      %dma_wait3A_98 = arith.constant 0 : i32
      %dma_wait3A_99 = tpu.memref_slice %arg2[%dma_wait3A_97, %dma_wait3A_98] : memref<16384x1024xf32, #tpu.memory_space<hbm>> -> memref<16384x1024xf32, #tpu.memory_space<hbm>>
      tpu.wait_indirect_dma semaphore(%arg15 : memref<!tpu.dma_semaphore, #tpu.memory_space<semaphore_mem>>) src(%dma_wait3A_99 : memref<16384x1024xf32, #tpu.memory_space<hbm>>) dst(%arg7 : memref<16x1024xf32, #tpu.memory_space<vmem>>)
      %ge3A_100 = arith.constant 4 : i32
      %ge3A_101 = arith.cmpi sge, %add3A_93, %ge3A_100 : i32
      %convert_element_type3A_102 = arith.extui %ge3A_101 : i1 to i32
      %cond3A_103 = arith.constant 0 : i32
      %cond3A_104 = arith.cmpi ne, %convert_element_type3A_102, %cond3A_103 : i32
      scf.if %cond3A_104 {
        %sub3A = arith.constant 4 : i32
        %sub3A_195 = arith.subi %add3A_93, %sub3A : i32
        %mul3A_196 = arith.constant 2 : i32
        %mul3A_197 = arith.muli %sub3A_195, %mul3A_196 : i32
        %add3A_198 = arith.addi %mul3A_2, %mul3A_197 : i32
        %dma_wait3A_199 = arith.constant 0 : i32
        %dma_wait3A_200 = tpu.memref_slice %arg4[%add3A_198, %dma_wait3A_199] : memref<16384x1024xf32, #tpu.memory_space<hbm>> -> memref<2x1024xf32, #tpu.memory_space<hbm>>
        %dma_wait3A_201 = arith.constant 0 : i32
        %dma_wait3A_202 = tpu.memref_slice %arg4[%add3A_198, %dma_wait3A_201] : memref<16384x1024xf32, #tpu.memory_space<hbm>> -> memref<2x1024xf32, #tpu.memory_space<hbm>>
        tpu.wait_dma2 semaphore(%arg19 : memref<!tpu.dma_semaphore, #tpu.memory_space<semaphore_mem>>) src(%arg11 : memref<2x1024xf32, #tpu.memory_space<vmem>>) dst(%dma_wait3A_202 : memref<2x1024xf32, #tpu.memory_space<hbm>>)
      } else {
      }
      %parallel_loop3A_105 = arith.constant 0 : i32
      %parallel_loop3A_106 = arith.constant 64 : i32
      %parallel_loop3A_107 = arith.constant 1 : i32
      scf.for %parallel_loop3A_195 = %parallel_loop3A_105 to %parallel_loop3A_106 step %parallel_loop3A_107  : i32 {
        %parallel_loop3A_196 = arith.constant 16 : i32
        %parallel_loop3A_197 = arith.muli %parallel_loop3A_195, %parallel_loop3A_196 : i32
        %parallel_loop3A_198 = arith.constant 0 : i32
        %parallel_loop3A_199 = arith.index_cast %parallel_loop3A_198 : i32 to index
        %parallel_loop3A_200 = arith.index_cast %parallel_loop3A_197 : i32 to index
        %parallel_loop3A_201 = tpu.vector_load %arg7[%parallel_loop3A_199, %parallel_loop3A_200] {strides = array<i32>} : memref<16x1024xf32, #tpu.memory_space<vmem>>, vector<1x16xf32>,
        %parallel_loop3A_202 = vector.shape_cast %parallel_loop3A_201 : vector<1x16xf32> to vector<16xf32>
        %parallel_loop3A_203 = arith.constant 1 : i32
        %parallel_loop3A_204 = arith.index_cast %parallel_loop3A_203 : i32 to index
        %parallel_loop3A_205 = arith.index_cast %parallel_loop3A_197 : i32 to index
        %parallel_loop3A_206 = tpu.vector_load %arg7[%parallel_loop3A_204, %parallel_loop3A_205] {strides = array<i32>} : memref<16x1024xf32, #tpu.memory_space<vmem>>, vector<1x16xf32>,
        %parallel_loop3A_207 = vector.shape_cast %parallel_loop3A_206 : vector<1x16xf32> to vector<16xf32>
        %parallel_loop3A_208 = arith.addf %parallel_loop3A_202, %parallel_loop3A_207 : vector<16xf32>
        %parallel_loop3A_209 = arith.constant 2 : i32
        %parallel_loop3A_210 = arith.index_cast %parallel_loop3A_209 : i32 to index
        %parallel_loop3A_211 = arith.index_cast %parallel_loop3A_197 : i32 to index
        %parallel_loop3A_212 = tpu.vector_load %arg7[%parallel_loop3A_210, %parallel_loop3A_211] {strides = array<i32>} : memref<16x1024xf32, #tpu.memory_space<vmem>>, vector<1x16xf32>,
        %parallel_loop3A_213 = vector.shape_cast %parallel_loop3A_212 : vector<1x16xf32> to vector<16xf32>
        %parallel_loop3A_214 = arith.addf %parallel_loop3A_208, %parallel_loop3A_213 : vector<16xf32>
        %parallel_loop3A_215 = arith.constant 3 : i32
        %parallel_loop3A_216 = arith.index_cast %parallel_loop3A_215 : i32 to index
        %parallel_loop3A_217 = arith.index_cast %parallel_loop3A_197 : i32 to index
        %parallel_loop3A_218 = tpu.vector_load %arg7[%parallel_loop3A_216, %parallel_loop3A_217] {strides = array<i32>} : memref<16x1024xf32, #tpu.memory_space<vmem>>, vector<1x16xf32>,
        %parallel_loop3A_219 = vector.shape_cast %parallel_loop3A_218 : vector<1x16xf32> to vector<16xf32>
        %parallel_loop3A_220 = arith.addf %parallel_loop3A_214, %parallel_loop3A_219 : vector<16xf32>
        %parallel_loop3A_221 = arith.constant 4 : i32
        %parallel_loop3A_222 = arith.index_cast %parallel_loop3A_221 : i32 to index
        %parallel_loop3A_223 = arith.index_cast %parallel_loop3A_197 : i32 to index
        %parallel_loop3A_224 = tpu.vector_load %arg7[%parallel_loop3A_222, %parallel_loop3A_223] {strides = array<i32>} : memref<16x1024xf32, #tpu.memory_space<vmem>>, vector<1x16xf32>,
        %parallel_loop3A_225 = vector.shape_cast %parallel_loop3A_224 : vector<1x16xf32> to vector<16xf32>
        %parallel_loop3A_226 = arith.addf %parallel_loop3A_220, %parallel_loop3A_225 : vector<16xf32>
        %parallel_loop3A_227 = arith.constant 5 : i32
        %parallel_loop3A_228 = arith.index_cast %parallel_loop3A_227 : i32 to index
        %parallel_loop3A_229 = arith.index_cast %parallel_loop3A_197 : i32 to index
        %parallel_loop3A_230 = tpu.vector_load %arg7[%parallel_loop3A_228, %parallel_loop3A_229] {strides = array<i32>} : memref<16x1024xf32, #tpu.memory_space<vmem>>, vector<1x16xf32>,
        %parallel_loop3A_231 = vector.shape_cast %parallel_loop3A_230 : vector<1x16xf32> to vector<16xf32>
        %parallel_loop3A_232 = arith.addf %parallel_loop3A_226, %parallel_loop3A_231 : vector<16xf32>
        %parallel_loop3A_233 = arith.constant 6 : i32
        %parallel_loop3A_234 = arith.index_cast %parallel_loop3A_233 : i32 to index
        %parallel_loop3A_235 = arith.index_cast %parallel_loop3A_197 : i32 to index
        %parallel_loop3A_236 = tpu.vector_load %arg7[%parallel_loop3A_234, %parallel_loop3A_235] {strides = array<i32>} : memref<16x1024xf32, #tpu.memory_space<vmem>>, vector<1x16xf32>,
        %parallel_loop3A_237 = vector.shape_cast %parallel_loop3A_236 : vector<1x16xf32> to vector<16xf32>
        %parallel_loop3A_238 = arith.addf %parallel_loop3A_232, %parallel_loop3A_237 : vector<16xf32>
        %parallel_loop3A_239 = arith.constant 7 : i32
        %parallel_loop3A_240 = arith.index_cast %parallel_loop3A_239 : i32 to index
        %parallel_loop3A_241 = arith.index_cast %parallel_loop3A_197 : i32 to index
        %parallel_loop3A_242 = tpu.vector_load %arg7[%parallel_loop3A_240, %parallel_loop3A_241] {strides = array<i32>} : memref<16x1024xf32, #tpu.memory_space<vmem>>, vector<1x16xf32>,
        %parallel_loop3A_243 = vector.shape_cast %parallel_loop3A_242 : vector<1x16xf32> to vector<16xf32>
        %parallel_loop3A_244 = arith.addf %parallel_loop3A_238, %parallel_loop3A_243 : vector<16xf32>
        %parallel_loop3A_245 = arith.constant 0 : i32
        %parallel_loop3A_246 = arith.index_cast %parallel_loop3A_245 : i32 to index
        %parallel_loop3A_247 = arith.index_cast %parallel_loop3A_197 : i32 to index
        %parallel_loop3A_248 = tpu.vector_load %arg11[%parallel_loop3A_246, %parallel_loop3A_247] {strides = array<i32>} : memref<2x1024xf32, #tpu.memory_space<vmem>>, vector<1x16xf32>,
        %parallel_loop3A_249 = vector.shape_cast %parallel_loop3A_248 : vector<1x16xf32> to vector<16xf32>
        %parallel_loop3A_250 = vector.shape_cast %parallel_loop3A_244 : vector<16xf32> to vector<1x16xf32>
        tpu.vector_store %arg11[%parallel_loop3A_246, %parallel_loop3A_247], %parallel_loop3A_250 {strides = array<i32>} : memref<2x1024xf32, #tpu.memory_space<vmem>>, vector<1x16xf32>,
      } {sc.loop_unroll_factor = 4 : i64, sc.parallel_access}
      %parallel_loop3A_108 = arith.constant 0 : i32
      %parallel_loop3A_109 = arith.constant 64 : i32
      %parallel_loop3A_110 = arith.constant 1 : i32
      scf.for %parallel_loop3A_195 = %parallel_loop3A_108 to %parallel_loop3A_109 step %parallel_loop3A_110  : i32 {
        %parallel_loop3A_196 = arith.constant 16 : i32
        %parallel_loop3A_197 = arith.muli %parallel_loop3A_195, %parallel_loop3A_196 : i32
        %parallel_loop3A_198 = arith.constant 8 : i32
        %parallel_loop3A_199 = arith.index_cast %parallel_loop3A_198 : i32 to index
        %parallel_loop3A_200 = arith.index_cast %parallel_loop3A_197 : i32 to index
        %parallel_loop3A_201 = tpu.vector_load %arg7[%parallel_loop3A_199, %parallel_loop3A_200] {strides = array<i32>} : memref<16x1024xf32, #tpu.memory_space<vmem>>, vector<1x16xf32>,
        %parallel_loop3A_202 = vector.shape_cast %parallel_loop3A_201 : vector<1x16xf32> to vector<16xf32>
        %parallel_loop3A_203 = arith.constant 9 : i32
        %parallel_loop3A_204 = arith.index_cast %parallel_loop3A_203 : i32 to index
        %parallel_loop3A_205 = arith.index_cast %parallel_loop3A_197 : i32 to index
        %parallel_loop3A_206 = tpu.vector_load %arg7[%parallel_loop3A_204, %parallel_loop3A_205] {strides = array<i32>} : memref<16x1024xf32, #tpu.memory_space<vmem>>, vector<1x16xf32>,
        %parallel_loop3A_207 = vector.shape_cast %parallel_loop3A_206 : vector<1x16xf32> to vector<16xf32>
        %parallel_loop3A_208 = arith.addf %parallel_loop3A_202, %parallel_loop3A_207 : vector<16xf32>
        %parallel_loop3A_209 = arith.constant 10 : i32
        %parallel_loop3A_210 = arith.index_cast %parallel_loop3A_209 : i32 to index
        %parallel_loop3A_211 = arith.index_cast %parallel_loop3A_197 : i32 to index
        %parallel_loop3A_212 = tpu.vector_load %arg7[%parallel_loop3A_210, %parallel_loop3A_211] {strides = array<i32>} : memref<16x1024xf32, #tpu.memory_space<vmem>>, vector<1x16xf32>,
        %parallel_loop3A_213 = vector.shape_cast %parallel_loop3A_212 : vector<1x16xf32> to vector<16xf32>
        %parallel_loop3A_214 = arith.addf %parallel_loop3A_208, %parallel_loop3A_213 : vector<16xf32>
        %parallel_loop3A_215 = arith.constant 11 : i32
        %parallel_loop3A_216 = arith.index_cast %parallel_loop3A_215 : i32 to index
        %parallel_loop3A_217 = arith.index_cast %parallel_loop3A_197 : i32 to index
        %parallel_loop3A_218 = tpu.vector_load %arg7[%parallel_loop3A_216, %parallel_loop3A_217] {strides = array<i32>} : memref<16x1024xf32, #tpu.memory_space<vmem>>, vector<1x16xf32>,
        %parallel_loop3A_219 = vector.shape_cast %parallel_loop3A_218 : vector<1x16xf32> to vector<16xf32>
        %parallel_loop3A_220 = arith.addf %parallel_loop3A_214, %parallel_loop3A_219 : vector<16xf32>
        %parallel_loop3A_221 = arith.constant 12 : i32
        %parallel_loop3A_222 = arith.index_cast %parallel_loop3A_221 : i32 to index
        %parallel_loop3A_223 = arith.index_cast %parallel_loop3A_197 : i32 to index
        %parallel_loop3A_224 = tpu.vector_load %arg7[%parallel_loop3A_222, %parallel_loop3A_223] {strides = array<i32>} : memref<16x1024xf32, #tpu.memory_space<vmem>>, vector<1x16xf32>,
        %parallel_loop3A_225 = vector.shape_cast %parallel_loop3A_224 : vector<1x16xf32> to vector<16xf32>
        %parallel_loop3A_226 = arith.addf %parallel_loop3A_220, %parallel_loop3A_225 : vector<16xf32>
        %parallel_loop3A_227 = arith.constant 13 : i32
        %parallel_loop3A_228 = arith.index_cast %parallel_loop3A_227 : i32 to index
        %parallel_loop3A_229 = arith.index_cast %parallel_loop3A_197 : i32 to index
        %parallel_loop3A_230 = tpu.vector_load %arg7[%parallel_loop3A_228, %parallel_loop3A_229] {strides = array<i32>} : memref<16x1024xf32, #tpu.memory_space<vmem>>, vector<1x16xf32>,
        %parallel_loop3A_231 = vector.shape_cast %parallel_loop3A_230 : vector<1x16xf32> to vector<16xf32>
        %parallel_loop3A_232 = arith.addf %parallel_loop3A_226, %parallel_loop3A_231 : vector<16xf32>
        %parallel_loop3A_233 = arith.constant 14 : i32
        %parallel_loop3A_234 = arith.index_cast %parallel_loop3A_233 : i32 to index
        %parallel_loop3A_235 = arith.index_cast %parallel_loop3A_197 : i32 to index
        %parallel_loop3A_236 = tpu.vector_load %arg7[%parallel_loop3A_234, %parallel_loop3A_235] {strides = array<i32>} : memref<16x1024xf32, #tpu.memory_space<vmem>>, vector<1x16xf32>,
        %parallel_loop3A_237 = vector.shape_cast %parallel_loop3A_236 : vector<1x16xf32> to vector<16xf32>
        %parallel_loop3A_238 = arith.addf %parallel_loop3A_232, %parallel_loop3A_237 : vector<16xf32>
        %parallel_loop3A_239 = arith.constant 15 : i32
        %parallel_loop3A_240 = arith.index_cast %parallel_loop3A_239 : i32 to index
        %parallel_loop3A_241 = arith.index_cast %parallel_loop3A_197 : i32 to index
        %parallel_loop3A_242 = tpu.vector_load %arg7[%parallel_loop3A_240, %parallel_loop3A_241] {strides = array<i32>} : memref<16x1024xf32, #tpu.memory_space<vmem>>, vector<1x16xf32>,
        %parallel_loop3A_243 = vector.shape_cast %parallel_loop3A_242 : vector<1x16xf32> to vector<16xf32>
        %parallel_loop3A_244 = arith.addf %parallel_loop3A_238, %parallel_loop3A_243 : vector<16xf32>
        %parallel_loop3A_245 = arith.constant 1 : i32
        %parallel_loop3A_246 = arith.index_cast %parallel_loop3A_245 : i32 to index
        %parallel_loop3A_247 = arith.index_cast %parallel_loop3A_197 : i32 to index
        %parallel_loop3A_248 = tpu.vector_load %arg11[%parallel_loop3A_246, %parallel_loop3A_247] {strides = array<i32>} : memref<2x1024xf32, #tpu.memory_space<vmem>>, vector<1x16xf32>,
        %parallel_loop3A_249 = vector.shape_cast %parallel_loop3A_248 : vector<1x16xf32> to vector<16xf32>
        %parallel_loop3A_250 = vector.shape_cast %parallel_loop3A_244 : vector<16xf32> to vector<1x16xf32>
        tpu.vector_store %arg11[%parallel_loop3A_246, %parallel_loop3A_247], %parallel_loop3A_250 {strides = array<i32>} : memref<2x1024xf32, #tpu.memory_space<vmem>>, vector<1x16xf32>,
      } {sc.loop_unroll_factor = 4 : i64, sc.parallel_access}
      %mul3A_111 = arith.constant 2 : i32
      %mul3A_112 = arith.muli %add3A_93, %mul3A_111 : i32
      %add3A_113 = arith.addi %mul3A_2, %mul3A_112 : i32
      %dma_start3A_114 = arith.constant 0 : i32
      %dma_start3A_115 = tpu.memref_slice %arg4[%add3A_113, %dma_start3A_114] : memref<16384x1024xf32, #tpu.memory_space<hbm>> -> memref<2x1024xf32, #tpu.memory_space<hbm>>
      %dma_start3A_116 = arith.constant 0 : i32
      %dma_start3A_117 = tpu.memref_slice %arg4[%add3A_113, %dma_start3A_116] : memref<16384x1024xf32, #tpu.memory_space<hbm>> -> memref<2x1024xf32, #tpu.memory_space<hbm>>
      tpu.enqueue_dma source(%arg11 : memref<2x1024xf32, #tpu.memory_space<vmem>>) target(%dma_start3A_117 : memref<2x1024xf32, #tpu.memory_space<hbm>>) target_semaphore(%arg19 : memref<!tpu.dma_semaphore, #tpu.memory_space<semaphore_mem>>)
      %add3A_118 = arith.constant 4 : i32
      %add3A_119 = arith.addi %add3A_93, %add3A_118 : i32
      %lt3A_120 = arith.constant 256 : i32
      %lt3A_121 = arith.cmpi slt, %add3A_119, %lt3A_120 : i32
      %convert_element_type3A_122 = arith.extui %lt3A_121 : i1 to i32
      %cond3A_123 = arith.constant 0 : i32
      %cond3A_124 = arith.cmpi ne, %convert_element_type3A_122, %cond3A_123 : i32
      scf.if %cond3A_124 {
        %add3A_195 = arith.constant 4 : i32
        %add3A_196 = arith.addi %add3A_93, %add3A_195 : i32
        %mul3A_197 = arith.constant 16 : i32
        %mul3A_198 = arith.muli %add3A_196, %mul3A_197 : i32
        %dma_start3A_199 = tpu.memref_slice %arg5[%mul3A_198] : memref<4096xi32, #tpu.memory_space<vmem>> -> memref<16xi32, #tpu.memory_space<vmem>>
        %dma_start3A_200 = arith.constant 0 : i32
        %dma_start3A_201 = arith.constant 0 : i32
        %dma_start3A_202 = tpu.memref_slice %arg2[%dma_start3A_200, %dma_start3A_201] : memref<16384x1024xf32, #tpu.memory_space<hbm>> -> memref<16384x1024xf32, #tpu.memory_space<hbm>>
        tpu.enqueue_indirect_dma source(%dma_start3A_202 : memref<16384x1024xf32, #tpu.memory_space<hbm>>) target(%arg7 : memref<16x1024xf32, #tpu.memory_space<vmem>>) offsets(%dma_start3A_199 : memref<16xi32, #tpu.memory_space<vmem>>) semaphore(%arg15 : memref<!tpu.dma_semaphore, #tpu.memory_space<semaphore_mem>>)
      } else {
      }
      %mul3A_125 = arith.constant 4 : i32
      %mul3A_126 = arith.muli %scan3A_58, %mul3A_125 : i32
      %add3A_127 = arith.constant 2 : i32
      %add3A_128 = arith.addi %mul3A_126, %add3A_127 : i32
      %mul3A_129 = arith.constant 16 : i32
      %mul3A_130 = arith.muli %add3A_128, %mul3A_129 : i32
      %dma_wait3A_131 = tpu.memref_slice %arg5[%mul3A_130] : memref<4096xi32, #tpu.memory_space<vmem>> -> memref<16xi32, #tpu.memory_space<vmem>>
      %dma_wait3A_132 = arith.constant 0 : i32
      %dma_wait3A_133 = arith.constant 0 : i32
      %dma_wait3A_134 = tpu.memref_slice %arg2[%dma_wait3A_132, %dma_wait3A_133] : memref<16384x1024xf32, #tpu.memory_space<hbm>> -> memref<16384x1024xf32, #tpu.memory_space<hbm>>
      tpu.wait_indirect_dma semaphore(%arg16 : memref<!tpu.dma_semaphore, #tpu.memory_space<semaphore_mem>>) src(%dma_wait3A_134 : memref<16384x1024xf32, #tpu.memory_space<hbm>>) dst(%arg8 : memref<16x1024xf32, #tpu.memory_space<vmem>>)
      %ge3A_135 = arith.constant 4 : i32
      %ge3A_136 = arith.cmpi sge, %add3A_128, %ge3A_135 : i32
      %convert_element_type3A_137 = arith.extui %ge3A_136 : i1 to i32
      %cond3A_138 = arith.constant 0 : i32
      %cond3A_139 = arith.cmpi ne, %convert_element_type3A_137, %cond3A_138 : i32
      scf.if %cond3A_139 {
        %sub3A = arith.constant 4 : i32
        %sub3A_195 = arith.subi %add3A_128, %sub3A : i32
        %mul3A_196 = arith.constant 2 : i32
        %mul3A_197 = arith.muli %sub3A_195, %mul3A_196 : i32
        %add3A_198 = arith.addi %mul3A_2, %mul3A_197 : i32
        %dma_wait3A_199 = arith.constant 0 : i32
        %dma_wait3A_200 = tpu.memref_slice %arg4[%add3A_198, %dma_wait3A_199] : memref<16384x1024xf32, #tpu.memory_space<hbm>> -> memref<2x1024xf32, #tpu.memory_space<hbm>>
        %dma_wait3A_201 = arith.constant 0 : i32
        %dma_wait3A_202 = tpu.memref_slice %arg4[%add3A_198, %dma_wait3A_201] : memref<16384x1024xf32, #tpu.memory_space<hbm>> -> memref<2x1024xf32, #tpu.memory_space<hbm>>
        tpu.wait_dma2 semaphore(%arg20 : memref<!tpu.dma_semaphore, #tpu.memory_space<semaphore_mem>>) src(%arg12 : memref<2x1024xf32, #tpu.memory_space<vmem>>) dst(%dma_wait3A_202 : memref<2x1024xf32, #tpu.memory_space<hbm>>)
      } else {
      }
      %parallel_loop3A_140 = arith.constant 0 : i32
      %parallel_loop3A_141 = arith.constant 64 : i32
      %parallel_loop3A_142 = arith.constant 1 : i32
      scf.for %parallel_loop3A_195 = %parallel_loop3A_140 to %parallel_loop3A_141 step %parallel_loop3A_142  : i32 {
        %parallel_loop3A_196 = arith.constant 16 : i32
        %parallel_loop3A_197 = arith.muli %parallel_loop3A_195, %parallel_loop3A_196 : i32
        %parallel_loop3A_198 = arith.constant 0 : i32
        %parallel_loop3A_199 = arith.index_cast %parallel_loop3A_198 : i32 to index
        %parallel_loop3A_200 = arith.index_cast %parallel_loop3A_197 : i32 to index
        %parallel_loop3A_201 = tpu.vector_load %arg8[%parallel_loop3A_199, %parallel_loop3A_200] {strides = array<i32>} : memref<16x1024xf32, #tpu.memory_space<vmem>>, vector<1x16xf32>,
        %parallel_loop3A_202 = vector.shape_cast %parallel_loop3A_201 : vector<1x16xf32> to vector<16xf32>
        %parallel_loop3A_203 = arith.constant 1 : i32
        %parallel_loop3A_204 = arith.index_cast %parallel_loop3A_203 : i32 to index
        %parallel_loop3A_205 = arith.index_cast %parallel_loop3A_197 : i32 to index
        %parallel_loop3A_206 = tpu.vector_load %arg8[%parallel_loop3A_204, %parallel_loop3A_205] {strides = array<i32>} : memref<16x1024xf32, #tpu.memory_space<vmem>>, vector<1x16xf32>,
        %parallel_loop3A_207 = vector.shape_cast %parallel_loop3A_206 : vector<1x16xf32> to vector<16xf32>
        %parallel_loop3A_208 = arith.addf %parallel_loop3A_202, %parallel_loop3A_207 : vector<16xf32>
        %parallel_loop3A_209 = arith.constant 2 : i32
        %parallel_loop3A_210 = arith.index_cast %parallel_loop3A_209 : i32 to index
        %parallel_loop3A_211 = arith.index_cast %parallel_loop3A_197 : i32 to index
        %parallel_loop3A_212 = tpu.vector_load %arg8[%parallel_loop3A_210, %parallel_loop3A_211] {strides = array<i32>} : memref<16x1024xf32, #tpu.memory_space<vmem>>, vector<1x16xf32>,
        %parallel_loop3A_213 = vector.shape_cast %parallel_loop3A_212 : vector<1x16xf32> to vector<16xf32>
        %parallel_loop3A_214 = arith.addf %parallel_loop3A_208, %parallel_loop3A_213 : vector<16xf32>
        %parallel_loop3A_215 = arith.constant 3 : i32
        %parallel_loop3A_216 = arith.index_cast %parallel_loop3A_215 : i32 to index
        %parallel_loop3A_217 = arith.index_cast %parallel_loop3A_197 : i32 to index
        %parallel_loop3A_218 = tpu.vector_load %arg8[%parallel_loop3A_216, %parallel_loop3A_217] {strides = array<i32>} : memref<16x1024xf32, #tpu.memory_space<vmem>>, vector<1x16xf32>,
        %parallel_loop3A_219 = vector.shape_cast %parallel_loop3A_218 : vector<1x16xf32> to vector<16xf32>
        %parallel_loop3A_220 = arith.addf %parallel_loop3A_214, %parallel_loop3A_219 : vector<16xf32>
        %parallel_loop3A_221 = arith.constant 4 : i32
        %parallel_loop3A_222 = arith.index_cast %parallel_loop3A_221 : i32 to index
        %parallel_loop3A_223 = arith.index_cast %parallel_loop3A_197 : i32 to index
        %parallel_loop3A_224 = tpu.vector_load %arg8[%parallel_loop3A_222, %parallel_loop3A_223] {strides = array<i32>} : memref<16x1024xf32, #tpu.memory_space<vmem>>, vector<1x16xf32>,
        %parallel_loop3A_225 = vector.shape_cast %parallel_loop3A_224 : vector<1x16xf32> to vector<16xf32>
        %parallel_loop3A_226 = arith.addf %parallel_loop3A_220, %parallel_loop3A_225 : vector<16xf32>
        %parallel_loop3A_227 = arith.constant 5 : i32
        %parallel_loop3A_228 = arith.index_cast %parallel_loop3A_227 : i32 to index
        %parallel_loop3A_229 = arith.index_cast %parallel_loop3A_197 : i32 to index
        %parallel_loop3A_230 = tpu.vector_load %arg8[%parallel_loop3A_228, %parallel_loop3A_229] {strides = array<i32>} : memref<16x1024xf32, #tpu.memory_space<vmem>>, vector<1x16xf32>,
        %parallel_loop3A_231 = vector.shape_cast %parallel_loop3A_230 : vector<1x16xf32> to vector<16xf32>
        %parallel_loop3A_232 = arith.addf %parallel_loop3A_226, %parallel_loop3A_231 : vector<16xf32>
        %parallel_loop3A_233 = arith.constant 6 : i32
        %parallel_loop3A_234 = arith.index_cast %parallel_loop3A_233 : i32 to index
        %parallel_loop3A_235 = arith.index_cast %parallel_loop3A_197 : i32 to index
        %parallel_loop3A_236 = tpu.vector_load %arg8[%parallel_loop3A_234, %parallel_loop3A_235] {strides = array<i32>} : memref<16x1024xf32, #tpu.memory_space<vmem>>, vector<1x16xf32>,
        %parallel_loop3A_237 = vector.shape_cast %parallel_loop3A_236 : vector<1x16xf32> to vector<16xf32>
        %parallel_loop3A_238 = arith.addf %parallel_loop3A_232, %parallel_loop3A_237 : vector<16xf32>
        %parallel_loop3A_239 = arith.constant 7 : i32
        %parallel_loop3A_240 = arith.index_cast %parallel_loop3A_239 : i32 to index
        %parallel_loop3A_241 = arith.index_cast %parallel_loop3A_197 : i32 to index
        %parallel_loop3A_242 = tpu.vector_load %arg8[%parallel_loop3A_240, %parallel_loop3A_241] {strides = array<i32>} : memref<16x1024xf32, #tpu.memory_space<vmem>>, vector<1x16xf32>,
        %parallel_loop3A_243 = vector.shape_cast %parallel_loop3A_242 : vector<1x16xf32> to vector<16xf32>
        %parallel_loop3A_244 = arith.addf %parallel_loop3A_238, %parallel_loop3A_243 : vector<16xf32>
        %parallel_loop3A_245 = arith.constant 0 : i32
        %parallel_loop3A_246 = arith.index_cast %parallel_loop3A_245 : i32 to index
        %parallel_loop3A_247 = arith.index_cast %parallel_loop3A_197 : i32 to index
        %parallel_loop3A_248 = tpu.vector_load %arg12[%parallel_loop3A_246, %parallel_loop3A_247] {strides = array<i32>} : memref<2x1024xf32, #tpu.memory_space<vmem>>, vector<1x16xf32>,
        %parallel_loop3A_249 = vector.shape_cast %parallel_loop3A_248 : vector<1x16xf32> to vector<16xf32>
        %parallel_loop3A_250 = vector.shape_cast %parallel_loop3A_244 : vector<16xf32> to vector<1x16xf32>
        tpu.vector_store %arg12[%parallel_loop3A_246, %parallel_loop3A_247], %parallel_loop3A_250 {strides = array<i32>} : memref<2x1024xf32, #tpu.memory_space<vmem>>, vector<1x16xf32>,
      } {sc.loop_unroll_factor = 4 : i64, sc.parallel_access}
      %parallel_loop3A_143 = arith.constant 0 : i32
      %parallel_loop3A_144 = arith.constant 64 : i32
      %parallel_loop3A_145 = arith.constant 1 : i32
      scf.for %parallel_loop3A_195 = %parallel_loop3A_143 to %parallel_loop3A_144 step %parallel_loop3A_145  : i32 {
        %parallel_loop3A_196 = arith.constant 16 : i32
        %parallel_loop3A_197 = arith.muli %parallel_loop3A_195, %parallel_loop3A_196 : i32
        %parallel_loop3A_198 = arith.constant 8 : i32
        %parallel_loop3A_199 = arith.index_cast %parallel_loop3A_198 : i32 to index
        %parallel_loop3A_200 = arith.index_cast %parallel_loop3A_197 : i32 to index
        %parallel_loop3A_201 = tpu.vector_load %arg8[%parallel_loop3A_199, %parallel_loop3A_200] {strides = array<i32>} : memref<16x1024xf32, #tpu.memory_space<vmem>>, vector<1x16xf32>,
        %parallel_loop3A_202 = vector.shape_cast %parallel_loop3A_201 : vector<1x16xf32> to vector<16xf32>
        %parallel_loop3A_203 = arith.constant 9 : i32
        %parallel_loop3A_204 = arith.index_cast %parallel_loop3A_203 : i32 to index
        %parallel_loop3A_205 = arith.index_cast %parallel_loop3A_197 : i32 to index
        %parallel_loop3A_206 = tpu.vector_load %arg8[%parallel_loop3A_204, %parallel_loop3A_205] {strides = array<i32>} : memref<16x1024xf32, #tpu.memory_space<vmem>>, vector<1x16xf32>,
        %parallel_loop3A_207 = vector.shape_cast %parallel_loop3A_206 : vector<1x16xf32> to vector<16xf32>
        %parallel_loop3A_208 = arith.addf %parallel_loop3A_202, %parallel_loop3A_207 : vector<16xf32>
        %parallel_loop3A_209 = arith.constant 10 : i32
        %parallel_loop3A_210 = arith.index_cast %parallel_loop3A_209 : i32 to index
        %parallel_loop3A_211 = arith.index_cast %parallel_loop3A_197 : i32 to index
        %parallel_loop3A_212 = tpu.vector_load %arg8[%parallel_loop3A_210, %parallel_loop3A_211] {strides = array<i32>} : memref<16x1024xf32, #tpu.memory_space<vmem>>, vector<1x16xf32>,
        %parallel_loop3A_213 = vector.shape_cast %parallel_loop3A_212 : vector<1x16xf32> to vector<16xf32>
        %parallel_loop3A_214 = arith.addf %parallel_loop3A_208, %parallel_loop3A_213 : vector<16xf32>
        %parallel_loop3A_215 = arith.constant 11 : i32
        %parallel_loop3A_216 = arith.index_cast %parallel_loop3A_215 : i32 to index
        %parallel_loop3A_217 = arith.index_cast %parallel_loop3A_197 : i32 to index
        %parallel_loop3A_218 = tpu.vector_load %arg8[%parallel_loop3A_216, %parallel_loop3A_217] {strides = array<i32>} : memref<16x1024xf32, #tpu.memory_space<vmem>>, vector<1x16xf32>,
        %parallel_loop3A_219 = vector.shape_cast %parallel_loop3A_218 : vector<1x16xf32> to vector<16xf32>
        %parallel_loop3A_220 = arith.addf %parallel_loop3A_214, %parallel_loop3A_219 : vector<16xf32>
        %parallel_loop3A_221 = arith.constant 12 : i32
        %parallel_loop3A_222 = arith.index_cast %parallel_loop3A_221 : i32 to index
        %parallel_loop3A_223 = arith.index_cast %parallel_loop3A_197 : i32 to index
        %parallel_loop3A_224 = tpu.vector_load %arg8[%parallel_loop3A_222, %parallel_loop3A_223] {strides = array<i32>} : memref<16x1024xf32, #tpu.memory_space<vmem>>, vector<1x16xf32>,
        %parallel_loop3A_225 = vector.shape_cast %parallel_loop3A_224 : vector<1x16xf32> to vector<16xf32>
        %parallel_loop3A_226 = arith.addf %parallel_loop3A_220, %parallel_loop3A_225 : vector<16xf32>
        %parallel_loop3A_227 = arith.constant 13 : i32
        %parallel_loop3A_228 = arith.index_cast %parallel_loop3A_227 : i32 to index
        %parallel_loop3A_229 = arith.index_cast %parallel_loop3A_197 : i32 to index
        %parallel_loop3A_230 = tpu.vector_load %arg8[%parallel_loop3A_228, %parallel_loop3A_229] {strides = array<i32>} : memref<16x1024xf32, #tpu.memory_space<vmem>>, vector<1x16xf32>,
        %parallel_loop3A_231 = vector.shape_cast %parallel_loop3A_230 : vector<1x16xf32> to vector<16xf32>
        %parallel_loop3A_232 = arith.addf %parallel_loop3A_226, %parallel_loop3A_231 : vector<16xf32>
        %parallel_loop3A_233 = arith.constant 14 : i32
        %parallel_loop3A_234 = arith.index_cast %parallel_loop3A_233 : i32 to index
        %parallel_loop3A_235 = arith.index_cast %parallel_loop3A_197 : i32 to index
        %parallel_loop3A_236 = tpu.vector_load %arg8[%parallel_loop3A_234, %parallel_loop3A_235] {strides = array<i32>} : memref<16x1024xf32, #tpu.memory_space<vmem>>, vector<1x16xf32>,
        %parallel_loop3A_237 = vector.shape_cast %parallel_loop3A_236 : vector<1x16xf32> to vector<16xf32>
        %parallel_loop3A_238 = arith.addf %parallel_loop3A_232, %parallel_loop3A_237 : vector<16xf32>
        %parallel_loop3A_239 = arith.constant 15 : i32
        %parallel_loop3A_240 = arith.index_cast %parallel_loop3A_239 : i32 to index
        %parallel_loop3A_241 = arith.index_cast %parallel_loop3A_197 : i32 to index
        %parallel_loop3A_242 = tpu.vector_load %arg8[%parallel_loop3A_240, %parallel_loop3A_241] {strides = array<i32>} : memref<16x1024xf32, #tpu.memory_space<vmem>>, vector<1x16xf32>,
        %parallel_loop3A_243 = vector.shape_cast %parallel_loop3A_242 : vector<1x16xf32> to vector<16xf32>
        %parallel_loop3A_244 = arith.addf %parallel_loop3A_238, %parallel_loop3A_243 : vector<16xf32>
        %parallel_loop3A_245 = arith.constant 1 : i32
        %parallel_loop3A_246 = arith.index_cast %parallel_loop3A_245 : i32 to index
        %parallel_loop3A_247 = arith.index_cast %parallel_loop3A_197 : i32 to index
        %parallel_loop3A_248 = tpu.vector_load %arg12[%parallel_loop3A_246, %parallel_loop3A_247] {strides = array<i32>} : memref<2x1024xf32, #tpu.memory_space<vmem>>, vector<1x16xf32>,
        %parallel_loop3A_249 = vector.shape_cast %parallel_loop3A_248 : vector<1x16xf32> to vector<16xf32>
        %parallel_loop3A_250 = vector.shape_cast %parallel_loop3A_244 : vector<16xf32> to vector<1x16xf32>
        tpu.vector_store %arg12[%parallel_loop3A_246, %parallel_loop3A_247], %parallel_loop3A_250 {strides = array<i32>} : memref<2x1024xf32, #tpu.memory_space<vmem>>, vector<1x16xf32>,
      } {sc.loop_unroll_factor = 4 : i64, sc.parallel_access}
      %mul3A_146 = arith.constant 2 : i32
      %mul3A_147 = arith.muli %add3A_128, %mul3A_146 : i32
      %add3A_148 = arith.addi %mul3A_2, %mul3A_147 : i32
      %dma_start3A_149 = arith.constant 0 : i32
      %dma_start3A_150 = tpu.memref_slice %arg4[%add3A_148, %dma_start3A_149] : memref<16384x1024xf32, #tpu.memory_space<hbm>> -> memref<2x1024xf32, #tpu.memory_space<hbm>>
      %dma_start3A_151 = arith.constant 0 : i32
      %dma_start3A_152 = tpu.memref_slice %arg4[%add3A_148, %dma_start3A_151] : memref<16384x1024xf32, #tpu.memory_space<hbm>> -> memref<2x1024xf32, #tpu.memory_space<hbm>>
      tpu.enqueue_dma source(%arg12 : memref<2x1024xf32, #tpu.memory_space<vmem>>) target(%dma_start3A_152 : memref<2x1024xf32, #tpu.memory_space<hbm>>) target_semaphore(%arg20 : memref<!tpu.dma_semaphore, #tpu.memory_space<semaphore_mem>>)
      %add3A_153 = arith.constant 4 : i32
      %add3A_154 = arith.addi %add3A_128, %add3A_153 : i32
      %lt3A_155 = arith.constant 256 : i32
      %lt3A_156 = arith.cmpi slt, %add3A_154, %lt3A_155 : i32
      %convert_element_type3A_157 = arith.extui %lt3A_156 : i1 to i32
      %cond3A_158 = arith.constant 0 : i32
      %cond3A_159 = arith.cmpi ne, %convert_element_type3A_157, %cond3A_158 : i32
      scf.if %cond3A_159 {
        %add3A_195 = arith.constant 4 : i32
        %add3A_196 = arith.addi %add3A_128, %add3A_195 : i32
        %mul3A_197 = arith.constant 16 : i32
        %mul3A_198 = arith.muli %add3A_196, %mul3A_197 : i32
        %dma_start3A_199 = tpu.memref_slice %arg5[%mul3A_198] : memref<4096xi32, #tpu.memory_space<vmem>> -> memref<16xi32, #tpu.memory_space<vmem>>
        %dma_start3A_200 = arith.constant 0 : i32
        %dma_start3A_201 = arith.constant 0 : i32
        %dma_start3A_202 = tpu.memref_slice %arg2[%dma_start3A_200, %dma_start3A_201] : memref<16384x1024xf32, #tpu.memory_space<hbm>> -> memref<16384x1024xf32, #tpu.memory_space<hbm>>
        tpu.enqueue_indirect_dma source(%dma_start3A_202 : memref<16384x1024xf32, #tpu.memory_space<hbm>>) target(%arg8 : memref<16x1024xf32, #tpu.memory_space<vmem>>) offsets(%dma_start3A_199 : memref<16xi32, #tpu.memory_space<vmem>>) semaphore(%arg16 : memref<!tpu.dma_semaphore, #tpu.memory_space<semaphore_mem>>)
      } else {
      }
      %mul3A_160 = arith.constant 4 : i32
      %mul3A_161 = arith.muli %scan3A_58, %mul3A_160 : i32
      %add3A_162 = arith.constant 3 : i32
      %add3A_163 = arith.addi %mul3A_161, %add3A_162 : i32
      %mul3A_164 = arith.constant 16 : i32
      %mul3A_165 = arith.muli %add3A_163, %mul3A_164 : i32
      %dma_wait3A_166 = tpu.memref_slice %arg5[%mul3A_165] : memref<4096xi32, #tpu.memory_space<vmem>> -> memref<16xi32, #tpu.memory_space<vmem>>
      %dma_wait3A_167 = arith.constant 0 : i32
      %dma_wait3A_168 = arith.constant 0 : i32
      %dma_wait3A_169 = tpu.memref_slice %arg2[%dma_wait3A_167, %dma_wait3A_168] : memref<16384x1024xf32, #tpu.memory_space<hbm>> -> memref<16384x1024xf32, #tpu.memory_space<hbm>>
      tpu.wait_indirect_dma semaphore(%arg17 : memref<!tpu.dma_semaphore, #tpu.memory_space<semaphore_mem>>) src(%dma_wait3A_169 : memref<16384x1024xf32, #tpu.memory_space<hbm>>) dst(%arg9 : memref<16x1024xf32, #tpu.memory_space<vmem>>)
      %ge3A_170 = arith.constant 4 : i32
      %ge3A_171 = arith.cmpi sge, %add3A_163, %ge3A_170 : i32
      %convert_element_type3A_172 = arith.extui %ge3A_171 : i1 to i32
      %cond3A_173 = arith.constant 0 : i32
      %cond3A_174 = arith.cmpi ne, %convert_element_type3A_172, %cond3A_173 : i32
      scf.if %cond3A_174 {
        %sub3A = arith.constant 4 : i32
        %sub3A_195 = arith.subi %add3A_163, %sub3A : i32
        %mul3A_196 = arith.constant 2 : i32
        %mul3A_197 = arith.muli %sub3A_195, %mul3A_196 : i32
        %add3A_198 = arith.addi %mul3A_2, %mul3A_197 : i32
        %dma_wait3A_199 = arith.constant 0 : i32
        %dma_wait3A_200 = tpu.memref_slice %arg4[%add3A_198, %dma_wait3A_199] : memref<16384x1024xf32, #tpu.memory_space<hbm>> -> memref<2x1024xf32, #tpu.memory_space<hbm>>
        %dma_wait3A_201 = arith.constant 0 : i32
        %dma_wait3A_202 = tpu.memref_slice %arg4[%add3A_198, %dma_wait3A_201] : memref<16384x1024xf32, #tpu.memory_space<hbm>> -> memref<2x1024xf32, #tpu.memory_space<hbm>>
        tpu.wait_dma2 semaphore(%arg21 : memref<!tpu.dma_semaphore, #tpu.memory_space<semaphore_mem>>) src(%arg13 : memref<2x1024xf32, #tpu.memory_space<vmem>>) dst(%dma_wait3A_202 : memref<2x1024xf32, #tpu.memory_space<hbm>>)
      } else {
      }
      %parallel_loop3A_175 = arith.constant 0 : i32
      %parallel_loop3A_176 = arith.constant 64 : i32
      %parallel_loop3A_177 = arith.constant 1 : i32
      scf.for %parallel_loop3A_195 = %parallel_loop3A_175 to %parallel_loop3A_176 step %parallel_loop3A_177  : i32 {
        %parallel_loop3A_196 = arith.constant 16 : i32
        %parallel_loop3A_197 = arith.muli %parallel_loop3A_195, %parallel_loop3A_196 : i32
        %parallel_loop3A_198 = arith.constant 0 : i32
        %parallel_loop3A_199 = arith.index_cast %parallel_loop3A_198 : i32 to index
        %parallel_loop3A_200 = arith.index_cast %parallel_loop3A_197 : i32 to index
        %parallel_loop3A_201 = tpu.vector_load %arg9[%parallel_loop3A_199, %parallel_loop3A_200] {strides = array<i32>} : memref<16x1024xf32, #tpu.memory_space<vmem>>, vector<1x16xf32>,
        %parallel_loop3A_202 = vector.shape_cast %parallel_loop3A_201 : vector<1x16xf32> to vector<16xf32>
        %parallel_loop3A_203 = arith.constant 1 : i32
        %parallel_loop3A_204 = arith.index_cast %parallel_loop3A_203 : i32 to index
        %parallel_loop3A_205 = arith.index_cast %parallel_loop3A_197 : i32 to index
        %parallel_loop3A_206 = tpu.vector_load %arg9[%parallel_loop3A_204, %parallel_loop3A_205] {strides = array<i32>} : memref<16x1024xf32, #tpu.memory_space<vmem>>, vector<1x16xf32>,
        %parallel_loop3A_207 = vector.shape_cast %parallel_loop3A_206 : vector<1x16xf32> to vector<16xf32>
        %parallel_loop3A_208 = arith.addf %parallel_loop3A_202, %parallel_loop3A_207 : vector<16xf32>
        %parallel_loop3A_209 = arith.constant 2 : i32
        %parallel_loop3A_210 = arith.index_cast %parallel_loop3A_209 : i32 to index
        %parallel_loop3A_211 = arith.index_cast %parallel_loop3A_197 : i32 to index
        %parallel_loop3A_212 = tpu.vector_load %arg9[%parallel_loop3A_210, %parallel_loop3A_211] {strides = array<i32>} : memref<16x1024xf32, #tpu.memory_space<vmem>>, vector<1x16xf32>,
        %parallel_loop3A_213 = vector.shape_cast %parallel_loop3A_212 : vector<1x16xf32> to vector<16xf32>
        %parallel_loop3A_214 = arith.addf %parallel_loop3A_208, %parallel_loop3A_213 : vector<16xf32>
        %parallel_loop3A_215 = arith.constant 3 : i32
        %parallel_loop3A_216 = arith.index_cast %parallel_loop3A_215 : i32 to index
        %parallel_loop3A_217 = arith.index_cast %parallel_loop3A_197 : i32 to index
        %parallel_loop3A_218 = tpu.vector_load %arg9[%parallel_loop3A_216, %parallel_loop3A_217] {strides = array<i32>} : memref<16x1024xf32, #tpu.memory_space<vmem>>, vector<1x16xf32>,
        %parallel_loop3A_219 = vector.shape_cast %parallel_loop3A_218 : vector<1x16xf32> to vector<16xf32>
        %parallel_loop3A_220 = arith.addf %parallel_loop3A_214, %parallel_loop3A_219 : vector<16xf32>
        %parallel_loop3A_221 = arith.constant 4 : i32
        %parallel_loop3A_222 = arith.index_cast %parallel_loop3A_221 : i32 to index
        %parallel_loop3A_223 = arith.index_cast %parallel_loop3A_197 : i32 to index
        %parallel_loop3A_224 = tpu.vector_load %arg9[%parallel_loop3A_222, %parallel_loop3A_223] {strides = array<i32>} : memref<16x1024xf32, #tpu.memory_space<vmem>>, vector<1x16xf32>,
        %parallel_loop3A_225 = vector.shape_cast %parallel_loop3A_224 : vector<1x16xf32> to vector<16xf32>
        %parallel_loop3A_226 = arith.addf %parallel_loop3A_220, %parallel_loop3A_225 : vector<16xf32>
        %parallel_loop3A_227 = arith.constant 5 : i32
        %parallel_loop3A_228 = arith.index_cast %parallel_loop3A_227 : i32 to index
        %parallel_loop3A_229 = arith.index_cast %parallel_loop3A_197 : i32 to index
        %parallel_loop3A_230 = tpu.vector_load %arg9[%parallel_loop3A_228, %parallel_loop3A_229] {strides = array<i32>} : memref<16x1024xf32, #tpu.memory_space<vmem>>, vector<1x16xf32>,
        %parallel_loop3A_231 = vector.shape_cast %parallel_loop3A_230 : vector<1x16xf32> to vector<16xf32>
        %parallel_loop3A_232 = arith.addf %parallel_loop3A_226, %parallel_loop3A_231 : vector<16xf32>
        %parallel_loop3A_233 = arith.constant 6 : i32
        %parallel_loop3A_234 = arith.index_cast %parallel_loop3A_233 : i32 to index
        %parallel_loop3A_235 = arith.index_cast %parallel_loop3A_197 : i32 to index
        %parallel_loop3A_236 = tpu.vector_load %arg9[%parallel_loop3A_234, %parallel_loop3A_235] {strides = array<i32>} : memref<16x1024xf32, #tpu.memory_space<vmem>>, vector<1x16xf32>,
        %parallel_loop3A_237 = vector.shape_cast %parallel_loop3A_236 : vector<1x16xf32> to vector<16xf32>
        %parallel_loop3A_238 = arith.addf %parallel_loop3A_232, %parallel_loop3A_237 : vector<16xf32>
        %parallel_loop3A_239 = arith.constant 7 : i32
        %parallel_loop3A_240 = arith.index_cast %parallel_loop3A_239 : i32 to index
        %parallel_loop3A_241 = arith.index_cast %parallel_loop3A_197 : i32 to index
        %parallel_loop3A_242 = tpu.vector_load %arg9[%parallel_loop3A_240, %parallel_loop3A_241] {strides = array<i32>} : memref<16x1024xf32, #tpu.memory_space<vmem>>, vector<1x16xf32>,
        %parallel_loop3A_243 = vector.shape_cast %parallel_loop3A_242 : vector<1x16xf32> to vector<16xf32>
        %parallel_loop3A_244 = arith.addf %parallel_loop3A_238, %parallel_loop3A_243 : vector<16xf32>
        %parallel_loop3A_245 = arith.constant 0 : i32
        %parallel_loop3A_246 = arith.index_cast %parallel_loop3A_245 : i32 to index
        %parallel_loop3A_247 = arith.index_cast %parallel_loop3A_197 : i32 to index
        %parallel_loop3A_248 = tpu.vector_load %arg13[%parallel_loop3A_246, %parallel_loop3A_247] {strides = array<i32>} : memref<2x1024xf32, #tpu.memory_space<vmem>>, vector<1x16xf32>,
        %parallel_loop3A_249 = vector.shape_cast %parallel_loop3A_248 : vector<1x16xf32> to vector<16xf32>
        %parallel_loop3A_250 = vector.shape_cast %parallel_loop3A_244 : vector<16xf32> to vector<1x16xf32>
        tpu.vector_store %arg13[%parallel_loop3A_246, %parallel_loop3A_247], %parallel_loop3A_250 {strides = array<i32>} : memref<2x1024xf32, #tpu.memory_space<vmem>>, vector<1x16xf32>,
      } {sc.loop_unroll_factor = 4 : i64, sc.parallel_access}
      %parallel_loop3A_178 = arith.constant 0 : i32
      %parallel_loop3A_179 = arith.constant 64 : i32
      %parallel_loop3A_180 = arith.constant 1 : i32
      scf.for %parallel_loop3A_195 = %parallel_loop3A_178 to %parallel_loop3A_179 step %parallel_loop3A_180  : i32 {
        %parallel_loop3A_196 = arith.constant 16 : i32
        %parallel_loop3A_197 = arith.muli %parallel_loop3A_195, %parallel_loop3A_196 : i32
        %parallel_loop3A_198 = arith.constant 8 : i32
        %parallel_loop3A_199 = arith.index_cast %parallel_loop3A_198 : i32 to index
        %parallel_loop3A_200 = arith.index_cast %parallel_loop3A_197 : i32 to index
        %parallel_loop3A_201 = tpu.vector_load %arg9[%parallel_loop3A_199, %parallel_loop3A_200] {strides = array<i32>} : memref<16x1024xf32, #tpu.memory_space<vmem>>, vector<1x16xf32>,
        %parallel_loop3A_202 = vector.shape_cast %parallel_loop3A_201 : vector<1x16xf32> to vector<16xf32>
        %parallel_loop3A_203 = arith.constant 9 : i32
        %parallel_loop3A_204 = arith.index_cast %parallel_loop3A_203 : i32 to index
        %parallel_loop3A_205 = arith.index_cast %parallel_loop3A_197 : i32 to index
        %parallel_loop3A_206 = tpu.vector_load %arg9[%parallel_loop3A_204, %parallel_loop3A_205] {strides = array<i32>} : memref<16x1024xf32, #tpu.memory_space<vmem>>, vector<1x16xf32>,
        %parallel_loop3A_207 = vector.shape_cast %parallel_loop3A_206 : vector<1x16xf32> to vector<16xf32>
        %parallel_loop3A_208 = arith.addf %parallel_loop3A_202, %parallel_loop3A_207 : vector<16xf32>
        %parallel_loop3A_209 = arith.constant 10 : i32
        %parallel_loop3A_210 = arith.index_cast %parallel_loop3A_209 : i32 to index
        %parallel_loop3A_211 = arith.index_cast %parallel_loop3A_197 : i32 to index
        %parallel_loop3A_212 = tpu.vector_load %arg9[%parallel_loop3A_210, %parallel_loop3A_211] {strides = array<i32>} : memref<16x1024xf32, #tpu.memory_space<vmem>>, vector<1x16xf32>,
        %parallel_loop3A_213 = vector.shape_cast %parallel_loop3A_212 : vector<1x16xf32> to vector<16xf32>
        %parallel_loop3A_214 = arith.addf %parallel_loop3A_208, %parallel_loop3A_213 : vector<16xf32>
        %parallel_loop3A_215 = arith.constant 11 : i32
        %parallel_loop3A_216 = arith.index_cast %parallel_loop3A_215 : i32 to index
        %parallel_loop3A_217 = arith.index_cast %parallel_loop3A_197 : i32 to index
        %parallel_loop3A_218 = tpu.vector_load %arg9[%parallel_loop3A_216, %parallel_loop3A_217] {strides = array<i32>} : memref<16x1024xf32, #tpu.memory_space<vmem>>, vector<1x16xf32>,
        %parallel_loop3A_219 = vector.shape_cast %parallel_loop3A_218 : vector<1x16xf32> to vector<16xf32>
        %parallel_loop3A_220 = arith.addf %parallel_loop3A_214, %parallel_loop3A_219 : vector<16xf32>
        %parallel_loop3A_221 = arith.constant 12 : i32
        %parallel_loop3A_222 = arith.index_cast %parallel_loop3A_221 : i32 to index
        %parallel_loop3A_223 = arith.index_cast %parallel_loop3A_197 : i32 to index
        %parallel_loop3A_224 = tpu.vector_load %arg9[%parallel_loop3A_222, %parallel_loop3A_223] {strides = array<i32>} : memref<16x1024xf32, #tpu.memory_space<vmem>>, vector<1x16xf32>,
        %parallel_loop3A_225 = vector.shape_cast %parallel_loop3A_224 : vector<1x16xf32> to vector<16xf32>
        %parallel_loop3A_226 = arith.addf %parallel_loop3A_220, %parallel_loop3A_225 : vector<16xf32>
        %parallel_loop3A_227 = arith.constant 13 : i32
        %parallel_loop3A_228 = arith.index_cast %parallel_loop3A_227 : i32 to index
        %parallel_loop3A_229 = arith.index_cast %parallel_loop3A_197 : i32 to index
        %parallel_loop3A_230 = tpu.vector_load %arg9[%parallel_loop3A_228, %parallel_loop3A_229] {strides = array<i32>} : memref<16x1024xf32, #tpu.memory_space<vmem>>, vector<1x16xf32>,
        %parallel_loop3A_231 = vector.shape_cast %parallel_loop3A_230 : vector<1x16xf32> to vector<16xf32>
        %parallel_loop3A_232 = arith.addf %parallel_loop3A_226, %parallel_loop3A_231 : vector<16xf32>
        %parallel_loop3A_233 = arith.constant 14 : i32
        %parallel_loop3A_234 = arith.index_cast %parallel_loop3A_233 : i32 to index
        %parallel_loop3A_235 = arith.index_cast %parallel_loop3A_197 : i32 to index
        %parallel_loop3A_236 = tpu.vector_load %arg9[%parallel_loop3A_234, %parallel_loop3A_235] {strides = array<i32>} : memref<16x1024xf32, #tpu.memory_space<vmem>>, vector<1x16xf32>,
        %parallel_loop3A_237 = vector.shape_cast %parallel_loop3A_236 : vector<1x16xf32> to vector<16xf32>
        %parallel_loop3A_238 = arith.addf %parallel_loop3A_232, %parallel_loop3A_237 : vector<16xf32>
        %parallel_loop3A_239 = arith.constant 15 : i32
        %parallel_loop3A_240 = arith.index_cast %parallel_loop3A_239 : i32 to index
        %parallel_loop3A_241 = arith.index_cast %parallel_loop3A_197 : i32 to index
        %parallel_loop3A_242 = tpu.vector_load %arg9[%parallel_loop3A_240, %parallel_loop3A_241] {strides = array<i32>} : memref<16x1024xf32, #tpu.memory_space<vmem>>, vector<1x16xf32>,
        %parallel_loop3A_243 = vector.shape_cast %parallel_loop3A_242 : vector<1x16xf32> to vector<16xf32>
        %parallel_loop3A_244 = arith.addf %parallel_loop3A_238, %parallel_loop3A_243 : vector<16xf32>
        %parallel_loop3A_245 = arith.constant 1 : i32
        %parallel_loop3A_246 = arith.index_cast %parallel_loop3A_245 : i32 to index
        %parallel_loop3A_247 = arith.index_cast %parallel_loop3A_197 : i32 to index
        %parallel_loop3A_248 = tpu.vector_load %arg13[%parallel_loop3A_246, %parallel_loop3A_247] {strides = array<i32>} : memref<2x1024xf32, #tpu.memory_space<vmem>>, vector<1x16xf32>,
        %parallel_loop3A_249 = vector.shape_cast %parallel_loop3A_248 : vector<1x16xf32> to vector<16xf32>
        %parallel_loop3A_250 = vector.shape_cast %parallel_loop3A_244 : vector<16xf32> to vector<1x16xf32>
        tpu.vector_store %arg13[%parallel_loop3A_246, %parallel_loop3A_247], %parallel_loop3A_250 {strides = array<i32>} : memref<2x1024xf32, #tpu.memory_space<vmem>>, vector<1x16xf32>,
      } {sc.loop_unroll_factor = 4 : i64, sc.parallel_access}
      %mul3A_181 = arith.constant 2 : i32
      %mul3A_182 = arith.muli %add3A_163, %mul3A_181 : i32
      %add3A_183 = arith.addi %mul3A_2, %mul3A_182 : i32
      %dma_start3A_184 = arith.constant 0 : i32
      %dma_start3A_185 = tpu.memref_slice %arg4[%add3A_183, %dma_start3A_184] : memref<16384x1024xf32, #tpu.memory_space<hbm>> -> memref<2x1024xf32, #tpu.memory_space<hbm>>
      %dma_start3A_186 = arith.constant 0 : i32
      %dma_start3A_187 = tpu.memref_slice %arg4[%add3A_183, %dma_start3A_186] : memref<16384x1024xf32, #tpu.memory_space<hbm>> -> memref<2x1024xf32, #tpu.memory_space<hbm>>
      tpu.enqueue_dma source(%arg13 : memref<2x1024xf32, #tpu.memory_space<vmem>>) target(%dma_start3A_187 : memref<2x1024xf32, #tpu.memory_space<hbm>>) target_semaphore(%arg21 : memref<!tpu.dma_semaphore, #tpu.memory_space<semaphore_mem>>)
      %add3A_188 = arith.constant 4 : i32
      %add3A_189 = arith.addi %add3A_163, %add3A_188 : i32
      %lt3A_190 = arith.constant 256 : i32
      %lt3A_191 = arith.cmpi slt, %add3A_189, %lt3A_190 : i32
      %convert_element_type3A_192 = arith.extui %lt3A_191 : i1 to i32
      %cond3A_193 = arith.constant 0 : i32
      %cond3A_194 = arith.cmpi ne, %convert_element_type3A_192, %cond3A_193 : i32
      scf.if %cond3A_194 {
        %add3A_195 = arith.constant 4 : i32
        %add3A_196 = arith.addi %add3A_163, %add3A_195 : i32
        %mul3A_197 = arith.constant 16 : i32
        %mul3A_198 = arith.muli %add3A_196, %mul3A_197 : i32
        %dma_start3A_199 = tpu.memref_slice %arg5[%mul3A_198] : memref<4096xi32, #tpu.memory_space<vmem>> -> memref<16xi32, #tpu.memory_space<vmem>>
        %dma_start3A_200 = arith.constant 0 : i32
        %dma_start3A_201 = arith.constant 0 : i32
        %dma_start3A_202 = tpu.memref_slice %arg2[%dma_start3A_200, %dma_start3A_201] : memref<16384x1024xf32, #tpu.memory_space<hbm>> -> memref<16384x1024xf32, #tpu.memory_space<hbm>>
        tpu.enqueue_indirect_dma source(%dma_start3A_202 : memref<16384x1024xf32, #tpu.memory_space<hbm>>) target(%arg9 : memref<16x1024xf32, #tpu.memory_space<vmem>>) offsets(%dma_start3A_199 : memref<16xi32, #tpu.memory_space<vmem>>) semaphore(%arg17 : memref<!tpu.dma_semaphore, #tpu.memory_space<semaphore_mem>>)
      } else {
      }
    }
    %scan3A_34 = arith.constant 64 : i32
    %add3A_35 = arith.constant 504 : i32
    %add3A_36 = arith.addi %mul3A_2, %add3A_35 : i32
    %dma_wait3A = arith.constant 0 : i32
    %dma_wait3A_37 = tpu.memref_slice %arg4[%add3A_36, %dma_wait3A] : memref<16384x1024xf32, #tpu.memory_space<hbm>> -> memref<2x1024xf32, #tpu.memory_space<hbm>>
    %dma_wait3A_38 = arith.constant 0 : i32
    %dma_wait3A_39 = tpu.memref_slice %arg4[%add3A_36, %dma_wait3A_38] : memref<16384x1024xf32, #tpu.memory_space<hbm>> -> memref<2x1024xf32, #tpu.memory_space<hbm>>
    tpu.wait_dma2 semaphore(%arg18 : memref<!tpu.dma_semaphore, #tpu.memory_space<semaphore_mem>>) src(%arg10 : memref<2x1024xf32, #tpu.memory_space<vmem>>) dst(%dma_wait3A_39 : memref<2x1024xf32, #tpu.memory_space<hbm>>)
    %add3A_40 = arith.constant 506 : i32
    %add3A_41 = arith.addi %mul3A_2, %add3A_40 : i32
    %dma_wait3A_42 = arith.constant 0 : i32
    %dma_wait3A_43 = tpu.memref_slice %arg4[%add3A_41, %dma_wait3A_42] : memref<16384x1024xf32, #tpu.memory_space<hbm>> -> memref<2x1024xf32, #tpu.memory_space<hbm>>
    %dma_wait3A_44 = arith.constant 0 : i32
    %dma_wait3A_45 = tpu.memref_slice %arg4[%add3A_41, %dma_wait3A_44] : memref<16384x1024xf32, #tpu.memory_space<hbm>> -> memref<2x1024xf32, #tpu.memory_space<hbm>>
    tpu.wait_dma2 semaphore(%arg19 : memref<!tpu.dma_semaphore, #tpu.memory_space<semaphore_mem>>) src(%arg11 : memref<2x1024xf32, #tpu.memory_space<vmem>>) dst(%dma_wait3A_45 : memref<2x1024xf32, #tpu.memory_space<hbm>>)
    %add3A_46 = arith.constant 508 : i32
    %add3A_47 = arith.addi %mul3A_2, %add3A_46 : i32
    %dma_wait3A_48 = arith.constant 0 : i32
    %dma_wait3A_49 = tpu.memref_slice %arg4[%add3A_47, %dma_wait3A_48] : memref<16384x1024xf32, #tpu.memory_space<hbm>> -> memref<2x1024xf32, #tpu.memory_space<hbm>>
    %dma_wait3A_50 = arith.constant 0 : i32
    %dma_wait3A_51 = tpu.memref_slice %arg4[%add3A_47, %dma_wait3A_50] : memref<16384x1024xf32, #tpu.memory_space<hbm>> -> memref<2x1024xf32, #tpu.memory_space<hbm>>
    tpu.wait_dma2 semaphore(%arg20 : memref<!tpu.dma_semaphore, #tpu.memory_space<semaphore_mem>>) src(%arg12 : memref<2x1024xf32, #tpu.memory_space<vmem>>) dst(%dma_wait3A_51 : memref<2x1024xf32, #tpu.memory_space<hbm>>)
    %add3A_52 = arith.constant 510 : i32
    %add3A_53 = arith.addi %mul3A_2, %add3A_52 : i32
    %dma_wait3A_54 = arith.constant 0 : i32
    %dma_wait3A_55 = tpu.memref_slice %arg4[%add3A_53, %dma_wait3A_54] : memref<16384x1024xf32, #tpu.memory_space<hbm>> -> memref<2x1024xf32, #tpu.memory_space<hbm>>
    %dma_wait3A_56 = arith.constant 0 : i32
    %dma_wait3A_57 = tpu.memref_slice %arg4[%add3A_53, %dma_wait3A_56] : memref<16384x1024xf32, #tpu.memory_space<hbm>> -> memref<2x1024xf32, #tpu.memory_space<hbm>>
    tpu.wait_dma2 semaphore(%arg21 : memref<!tpu.dma_semaphore, #tpu.memory_space<semaphore_mem>>) src(%arg13 : memref<2x1024xf32, #tpu.memory_space<vmem>>) dst(%dma_wait3A_57 : memref<2x1024xf32, #tpu.memory_space<hbm>>)
    return
  }
}

</mosaic_0001>

<sc_bundles>
// kernel: kernel.3.cloned.1.call-start
scs
__scs_entry_jumppad:
0x0: {  	(pc) =	sbr.rel $0x88, $3  }
0x1: {  	(tag) =	ssettag $0x0;
	lr =	simm.s32 $0x1  }
0x2: {  	[smem:$0x3F9F] =	sst lr;
	_ =	strace $0xD0000000  }
0x3: {  	_ = 	snop  }
0x4: {  	_ = 	snop  }
0x5: {  	_ = 	snop  }
0x6: {  	_ = 	snop  }
0x7: {  	_ = 	snop  }
__scs_overlays_trampoline_lowered:
0x8: {  	[smem:$0x3FAE] =	sst s0  }
0x9: {  	[smem:$0x3FAF] =	sst s1  }
0xa: {  	[smem:$0x3FB0] =	sst s2  }
0xb: {  	[smem:$0x3FB1] =	sst s3  }
0xc: {  	[smem:$0x3FB2] =	sst s4  }
0xd: {  	[smem:$0x3FB3] =	sst s5  }
0xe: {  	[smem:$0x3FB4] =	sst s6  }
0xf: {  	[smem:$0x3FB5] =	sst s7  }
0x10: {  	[smem:$0x3FB6] =	sst s8  }
0x11: {  	[smem:$0x3FB7] =	sst s9;
	s0 =	simm.s32 @!p0 $0x0  }
0x12: {  	s1 =	sld [smem:$0x3F9D];
	s0 =	simm.s32 @p0 $0x1  }
0x13: {  	[smem:$0x3FB8] =	sst s0;
	s0 =	simm.s32 @!p1 $0x0  }
0x14: {  	s2 =	sld [smem:$0x3F9C];
	s0 =	simm.s32 @p1 $0x1  }
0x15: {  	[smem:$0x3FB9] =	sst s0;
	s0 =	simm.s32 @!p2 $0x0  }
0x16: {  	s3 =	sld [smem:$0x3FDB];
	s0 =	simm.s32 @p2 $0x1  }
0x17: {  	s4 =	simm.s32 $0x1BF5;
	[smem:$0x3FBB] =	sst s0  }
0x18: {  	s0 =	sld [smem:$0x3F9E];
	_ =	swait.ge [sflag:s4], $0x0  }
0x19: {  	s7 =	sld [smem:$0x3F9F]  }
0x1a: {  	s8 =	sadd.s32 $0xFFFFE003, lr  }
0x1b: {  	s9 =	sadd.s32 $0xFFFFFEF7, lr;
	s5 =	simm.s32 $0xFFFFFFFF;
	p2 =	slt.u32 s8, $0xFFFFF086  }
0x1c: {  	p1 =	slt.u32 s9, $0xF7A;
	s5 =	simm.s32 @!p2 $0x0  }
0x1d: {  	s5 =	simm.s32 @p1 $0x1;
	p0 =	seq.s32 s7, s2  }
0x1e: {  	s7 =	smul.u32 @!p0 $0xF7A, s2;
	p2 =	seq.s32 @!p0 s5, $0x0  }
0x1f: {  	s9 =	smul.u32 $0xF7A, s1;
	s8 =	simm.s32 @!p0 $0x1BF5;
	p2 =	por !p2, p0  }
0x20: {  	[sflag:s8] =	ssyncset.s32 @!p0 $0xFFFFF086;
	s6 =	sadd.s32 @!p0 s3, s7;
	s7 =	simm.s32 @!p0 $0x108  }
0x21: {  	s3 =	sadd.s32 s3, s9;
	s6 =	sadd.s32 @!p0 $0x88, s6;
	s7 =	simm.s32 @p2 $0x1082  }
0x22: {  	[simem:s7], [sflag:s8] =	dma.local @!p0 [hbm:s6], $0xF7A  }
0x23: {  	s9 =	sor.u32 $0xD0000000, s2;
	s6 =	simm.s32 $0x108;
	_ =	swait.ge @!p0 [sflag:s8], $0x0  }
0x24: {  	s3 =	sadd.s32 $0x88, s3;
	s6 =	simm.s32 @!p1 $0x1082;
	[sflag:s4] =	ssyncset.s32 $0xFFFFF086  }
0x25: {  	[simem:s6], [sflag:s4] =	dma.local [hbm:s3], $0xF7A  }
0x26: {  	[smem:$0x3F9F] =	sst s1;
	(tag) =	ssettag s2;
	_ =	strace s9  }
0x27: {  	s1 =	sld [smem:$0x3FAF]  }
0x28: {  	s2 =	sld [smem:$0x3FB0]  }
0x29: {  	s4 =	sld [smem:$0x3FB2]  }
0x2a: {  	p0 =	seq.s32 s5, $0x0;
	s5 =	sld [smem:$0x3FB3]  }
0x2b: {  	s6 =	sld [smem:$0x3FB4]  }
0x2c: {  	s7 =	sld [smem:$0x3FB5]  }
0x2d: {  	s3 =	simm.s32 $0x108;
	s8 =	sld [smem:$0x3FB6]  }
0x2e: {  	s3 =	simm.s32 @!p0 $0x1082;
	s9 =	sld [smem:$0x3FB7]  }
0x2f: {  	lr =	sadd.s32 s0, s3;
	s0 =	sld [smem:$0x3FAE]  }
0x30: {  	s3 =	sld [smem:$0x3FB1]  }
0x31: {  	[smem:$0x3FBA] =	sst s10  }
0x32: {  	s10 =	sld [smem:$0x3FB8];
	_ =	sdelay $0x3  }
0x33: {  	p0 =	seq.s32 s10, $0x1;
	s10 =	sld [smem:$0x3FBA];
	_ =	sdelay $0x3  }
0x34: {  	[smem:$0x3FBA] =	sst s10  }
0x35: {  	s10 =	sld [smem:$0x3FB9];
	_ =	sdelay $0x3  }
0x36: {  	p1 =	seq.s32 s10, $0x1;
	s10 =	sld [smem:$0x3FBA];
	_ =	sdelay $0x3  }
0x37: {  	[smem:$0x3FBA] =	sst s10  }
0x38: {  	s10 =	sld [smem:$0x3FBB]  }
0x39: {  	_ = 	snop;
	(pc) =	sbr.ind lr, $3  }
0x3a: {  	_ = 	snop  }
0x3b: {  	_ = 	snop  }
0x3c: {  	p2 =	seq.s32 s10, $0x1;
	s10 =	sld [smem:$0x3FBA]  }
0x3d: {  	_ =	shalt  }
0x3e: {  	_ =	shalt  }
0x3f: {  	_ =	shalt  }
0x40: {  	_ =	shalt  }
0x41: {  	_ =	shalt  }
0x42: {  	_ =	shalt  }
0x43: {  	_ =	shalt  }
0x44: {  	_ =	shalt  }
0x45: {  	_ =	shalt  }
0x46: {  	_ =	shalt  }
0x47: {  	_ =	shalt  }
0x48: {  	_ =	shalt  }
0x49: {  	_ =	shalt  }
0x4a: {  	_ =	shalt  }
0x4b: {  	_ =	shalt  }
0x4c: {  	_ =	shalt  }
0x4d: {  	_ =	shalt  }
0x4e: {  	_ =	shalt  }
0x4f: {  	_ =	shalt  }
0x50: {  	_ =	shalt  }
0x51: {  	_ =	shalt  }
0x52: {  	_ =	shalt  }
0x53: {  	_ =	shalt  }
0x54: {  	_ =	shalt  }
0x55: {  	_ =	shalt  }
0x56: {  	_ =	shalt  }
0x57: {  	_ =	shalt  }
0x58: {  	_ =	shalt  }
0x59: {  	_ =	shalt  }
0x5a: {  	_ =	shalt  }
0x5b: {  	_ =	shalt  }
0x5c: {  	_ =	shalt  }
0x5d: {  	_ =	shalt  }
0x5e: {  	_ =	shalt  }
0x5f: {  	_ =	shalt  }
0x60: {  	_ =	shalt  }
0x61: {  	_ =	shalt  }
0x62: {  	_ =	shalt  }
0x63: {  	_ =	shalt  }
0x64: {  	_ =	shalt  }
0x65: {  	_ =	shalt  }
0x66: {  	_ =	shalt  }
0x67: {  	_ =	shalt  }
0x68: {  	_ =	shalt  }
0x69: {  	_ =	shalt  }
0x6a: {  	_ =	shalt  }
0x6b: {  	_ =	shalt  }
0x6c: {  	_ =	shalt  }
0x6d: {  	_ =	shalt  }
0x6e: {  	_ =	shalt  }
0x6f: {  	_ =	shalt  }
0x70: {  	_ =	shalt  }
0x71: {  	_ =	shalt  }
0x72: {  	_ =	shalt  }
0x73: {  	_ =	shalt  }
0x74: {  	_ =	shalt  }
0x75: {  	_ =	shalt  }
0x76: {  	_ =	shalt  }
0x77: {  	_ =	shalt  }
0x78: {  	_ =	shalt  }
0x79: {  	_ =	shalt  }
0x7a: {  	_ =	shalt  }
0x7b: {  	_ =	shalt  }
0x7c: {  	_ =	shalt  }
0x7d: {  	_ =	shalt  }
0x7e: {  	_ =	shalt  }
0x7f: {  	_ =	shalt  }
0x80: {  	_ =	shalt  }
0x81: {  	_ =	shalt  }
0x82: {  	_ =	shalt  }
0x83: {  	_ =	shalt  }
0x84: {  	_ =	shalt  }
0x85: {  	_ =	shalt  }
0x86: {  	_ =	shalt  }
0x87: {  	_ =	shalt  }
.Lfunc_end0:
.L_simem_size_0:
called_computation_lowered:
.L_overlay_start_0:
0x88: {  	s2 =	sld [smem:$0x3FD9]  }
0x89: {  	s3 =	sld [smem:$0x3FFE];
	_ =	sdelay $0x1  }
0x8a: {  	s1 =	srdreg.scid  }
0x8b: {  	s0 =	sand.u32 $0x1, s1  }
0x8c: {  	s17 =	sshll.u32 s0, $0xA;
	s2 =	sadd.s32 s3, s2  }
0x8d: {  	s2 =	sadd.s32 s2, s17  }
0x8e: {  	[smem:$0x3FC6] =	sst s2  }
0x8f: {  	_ = 	snop  }
0x90: {  	s2 =	sld [smem:$0x3FC8]  }
0x91: {  	s18 =	sld [smem:$0x3FD0];
	(tm) =	ssettm $0x1  }
0x92: {  	s4 =	sld [smem:$0x3FFB];
	_ =	sdelay $0x3  }
0x93: {  	_ =	strace s4  }
0x94: {  	s4 =	sld [smem:$0x3FFC];
	_ =	sdelay $0x3  }
0x95: {  	_ =	strace s4  }
0x96: {  	s4 =	sld [smem:$0x3FFD];
	_ =	sdelay $0x3  }
0x97: {  	_ =	strace s4  }
0x98: {  	_ =	strace $0x8FFFFFFF  }
0x99: {  	s19 =	sld [smem:$0x3FDB];
	_ =	sdelay $0x1  }
0x9a: {  	s5 =	simm.s32 $_scs_section_size  }
0x9b: {  	s6 =	simm.s32 $_size__tile_overlayer_lowered;
	s7 =	simm.s32 $_tile_overlayer_lowered  }
0x9c: {  	s22 =	simm.s32 $0x1BFF;
	s21 =	sshll.u32 s7, $0x1;
	s4 =	sadd.s32 s5, s19  }
0x9d: {  	s8 =	simm.s32 $0x0;
	s20 =	sshll.u32 s6, $0x1;
	s6 =	sadd.s32 s21, s4  }
0x9e: {  	[timem:s8], [sflag:s22] =	dma.local [hbm:s6], s20  }
0x9f: {  	_ =	swait.ge [sflag:s22], s20  }
0xa0: {  	s5 =	ssub.s32 $0x0, s20;
	[sflag:s22] =	ssyncset.done $0x0  }
0xa1: {  	[sflag:s22] =	ssyncadd.s32 s5;
	_ =	sdelay $0x1  }
0xa2: {  	s23 =	simm.s32 $0x1B8B  }
0xa3: {  	_ =	swait.ge [sflag:s23], $0x1  }
0xa4: {  	[sflag:s23] =	ssyncset.done $0x0  }
0xa5: {  	s25 =	simm.s32 $0x1B8E;
	s24 =	sld [smem:$0x3FFE];
	[sflag:s23] =	ssyncadd.s32 $0xFFFFFFFF  }
0xa6: {  	s26 =	simm.s32 $execute0_lowered;
	[smem:$0x3FD2] =	sst s25  }
0xa7: {  	s6 =	sshll.u32 s26, $0x1;
	_ =	strace $0x80000046;
	[dreg:$0x1] =	wrdreg $0xFFFFFFFF  }
0xa8: {  	s28 =	simm.s32 $_size_execute0_lowered;
	s4 =	sadd.s32 s4, s6;
	[dreg:$0x0] =	wrdreg $0x0  }
0xa9: {  	s6 =	sshll.u32 s28, $0x1;
	[dreg:$0x2] =	wrdreg s4  }
0xaa: {  	[dreg:$0x3] =	wrdreg s6  }
0xab: {  	[dreg:$0x4] =	wrdreg $0xC0  }
0xac: {  	_ =	task [dreg:s8], $0x5FFFF  }
0xad: {  	[dreg:$0x1] =	wrdreg $0xFFFFFFFF  }
0xae: {  	[dreg:$0x0] =	wrdreg $0x60  }
0xaf: {  	[dreg:$0x2] =	wrdreg s2  }
0xb0: {  	[dreg:$0x3] =	wrdreg s24  }
0xb1: {  	[dreg:$0x4] =	wrdreg s18  }
0xb2: {  	[dreg:$0x5] =	wrdreg $0x9  }
0xb3: {  	_ =	task.clear_ibuf [dreg:s8], $0x6FFFF;
	_ =	strace $0x90000046  }
0xb4: {  	s29 =	simm.s32 $0x9;
	_ =	strace $0x80000048  }
0xb5: {  	_ =	swait.ge [sflag:s29], $0x1  }
0xb6: {  	[sflag:s29] =	ssyncadd.s32 $0xFFFFFFFF  }
0xb7: {  	_ =	strace $0x90000048  }
0xb8: {  	_ =	sfence  }
0xb9: {  	s30 =	sld [smem:$0x0];
	_ =	sdelay $0x2  }
0xba: {  	s31 =	sshll.u32 s1, $0xD;
	s1 =	sshrl.u32 s1, $0x2  }
0xbb: {  	s3 =	sand.u32 $0x4000, s31;
	s1 =	sadd.s32 s1, s30  }
0xbc: {  	s0 =	sor.u32 s3, s0;
	s1 =	sshll.u32 s1, $0x11  }
0xbd: {  	s0 =	sor.u32 s1, s0  }
0xbe: {  	s0 =	sadd.s32 $0x8F2B, s0  }
0xbf: {  	[sflag:s0] =	ssyncadd.remote.s32 $0x1  }
0xc0: {  	_ =	sfence.sel $0xFFFF  }
0xc1: {  	[dreg:$0x0] =	wrdreg $0xFFFFFFFF;
	(pc) =	sbr.abs _section_cstart, $3  }
0xc2: {  	[dreg:$0x1] =	wrdreg $0xFFFFFFFF  }
0xc3: {  	_ =	task.clear_ibuf [dreg:s8], $0x2FFFF;
	_ =	strace $0x9FFFFFFF  }
0xc4: {  	(tm) =	ssettm $0x7FFFFFFF  }
0xc5: {  	_ =	shalt  }
tec
execute0_lowered:
.L_overlay_start_1:
0x0: {  	(tag) =	ssettag $0x1  }
0x1: {  	s7 =	rddreg [dreg:$0x0]  }
0x2: {  	s0 =	rddreg [dreg:$0x1]  }
0x3: {  	s8 =	rddreg [dreg:$0x2];
	s1 =	srdreg.scid;
	s4 =	simm.s32 $0x0  }
0x4: {  	s2 =	stileid.u32;
	[smem:$0x7FF] =	sst s4;
	s24 =	sadd.s32 $0x100, s7  }
0x5: {  	s25 =	sadd.s32 $0x200, s7;
	_ =	strace $0x80000047;
	[dreg:$0x6] =	wrdreg s24  }
0x6: {  	s1 =	sand.u32 $0x1, s1;
	s26 =	sadd.s32 $0x300, s7;
	[dreg:$0x7] =	wrdreg s25  }
0x7: {  	s3 =	sshll.u32 s2, $0x1;
	s28 =	sadd.s32 $0x20, s8;
	[dreg:$0x8] =	wrdreg s26  }
0x8: {  	s29 =	sadd.s32 $0x40, s8;
	s30 =	sadd.s32 $0x60, s8;
	[dreg:$0x9] =	wrdreg s28  }
0x9: {  	s3 =	sor.u32 s1, s3;
	s1 =	ssub.s32 $0x2, s1;
	[dreg:$0xa] =	wrdreg s29  }
.Ltmp0:
0xa: {  	[dreg:$0xb] =	wrdreg s30;
	s5 =	sshll.u32 s3, $0x9;
	(pc) =	sbr.rel .LBB2_1-.Ltmp0, $4  }
0xb: {  	s6 =	sshrl.u32 s1, $0x1;
	s23 =	sshll.u32 s3, $0x10;
	s0 =	sadd.s32 s5, s0  }
0xc: {  	v3 =	vlaneseq.u32;
	s1 =	ssub.s32 s1, s6;
	[dreg:$0x4] =	wrdreg s23;
	s0 =	sadd.s32 $0x400, s0  }
0xd: {  	vm0 =	vmmov $0xffff;
	v0 =	vand.u32 $0x7, v3;
	v2 =	vshrl.u32 v3, $0x3;
	s31 =	smax.u32 s1, $0x1;
	[dreg:$0x5] =	wrdreg s0  }
0xe: {  	v3 =	vor.u32 $0x8, v3;
	s2 =	simm.s32 $0x0;
	v1 =	vmul.u32 $0x800, v0;
	v2 =	vmul.u32 $0x8, v2;
	[dreg:$0xc] =	wrdreg s31  }
.LBB2_34:
0xf: {  	s0 =	simm.s32 $0x5  }
0x10: {  	_ =	swait.ge [sflag:s0], $0x800  }
0x11: {  	[sflag:s0] =	ssyncset.done $0x0  }
0x12: {  	s29 =	simm.s32 $0x6;
	[sflag:s0] =	ssyncadd.s32 $0xFFFFF800  }
0x13: {  	_ =	swait.ge [sflag:s29], $0x800  }
0x14: {  	[sflag:s29] =	ssyncset.done $0x0  }
0x15: {  	s30 =	simm.s32 $0x7;
	[sflag:s29] =	ssyncadd.s32 $0xFFFFF800  }
0x16: {  	_ =	swait.ge [sflag:s30], $0x800  }
0x17: {  	[sflag:s30] =	ssyncset.done $0x0  }
0x18: {  	s1 =	simm.s32 $0x8;
	[sflag:s30] =	ssyncadd.s32 $0xFFFFF800  }
0x19: {  	_ =	swait.ge [sflag:s1], $0x800  }
0x1a: {  	s2 =	rddreg [dreg:$0xd]  }
0x1b: {  	s31 =	rddreg [dreg:$0xc];
	s2 =	sadd.s32 $0x1, s2  }
0x1c: {  	p0 =	sne.s32 s2, s31  }
.Ltmp1:
0x1d: {  	_ = 	snop;
	(pc) =	sbr.rel @!p0 .LBB2_35-.Ltmp1, $3  }
0x1e: {  	_ =	sdelay $0x1  }
0x1f: {  	[sflag:s1] =	ssyncset.done $0x0  }
0x20: {  	[sflag:s1] =	ssyncadd.s32 $0xFFFFF800  }
.LBB2_1:
0x21: {  	[dreg:$0xd] =	wrdreg s2  }
0x22: {  	s0 =	rddreg [dreg:$0x5];
	s31 =	simm.s32 $0x9  }
0x23: {  	[tilespmem:s4], [sflag:$0x9] =	stream.linear.gather [hbm4b:s0+s4], $0x1000, $0x38;
	[tilespmem:$0x13000] =	vst v63  }
0x24: {  	_ =	swait.ge [sflag:s31], $0x1000  }
0x25: {  	[sflag:s31] =	ssyncset.done $0x0  }
0x26: {  	s1 =	simm.s32 $0x20;
	[sflag:s31] =	ssyncadd.s32 $0xFFFFF000  }
0x27: {  	v4 =	vld [tilespmem:s1+$0xFFFFFFE0]  }
0x28: {  	v6 =	vld [tilespmem:s1+$0x0]  }
0x29: {  	v5 =	vld [tilespmem:s1+$0x10]  }
0x2a: {  	v7 =	vld [tilespmem:s1+$0xFFFFFFF0];
	_ =	sdelay $0x1  }
0x2b: {  	s0 =	simm.s32 $0x60;
	v8 =	vadd.s32 v1, v4  }
0x2c: {  	v4 =	vld [tilespmem:s0+$0xFFFFFFE0];
	v9 =	vadd.s32 v1, v6;
	[tilespmem:s1+$0xFFFFFFE0] =	vst v8  }
0x2d: {  	v6 =	vld [tilespmem:s0+$0x0];
	v8 =	vadd.s32 v1, v5;
	[tilespmem:s1+$0x0] =	vst v9  }
0x2e: {  	s3 =	simm.s32 $0x4;
	v7 =	vadd.s32 v1, v7;
	v5 =	vld [tilespmem:s0+$0x10];
	[tilespmem:s1+$0x10] =	vst v8  }
.LBB2_2:
0x2f: {  	s3 =	sadd.s32 $0x4, s3  }
0x30: {  	v8 =	vld [tilespmem:s0+$0xFFFFFFF0];
	[tilespmem:s1+$0xFFFFFFF0] =	vst v7;
	s1 =	smov.u32 s0;
	p0 =	slt.u32 s3, $0xFC  }
.Ltmp2:
0x31: {  	(pc) =	sbr.rel @p0 .LBB2_2-.Ltmp2, $4  }
0x32: {  	s0 =	sadd.s32 $0x40, s0;
	v7 =	vadd.s32 v1, v4  }
0x33: {  	v4 =	vld [tilespmem:s0+$0xFFFFFFE0];
	[tilespmem:s1+$0xFFFFFFE0] =	vst v7;
	v7 =	vadd.s32 v1, v5  }
0x34: {  	v5 =	vld [tilespmem:s0+$0x10];
	v9 =	vadd.s32 v1, v6;
	[tilespmem:s1+$0x10] =	vst v7  }
0x35: {  	v6 =	vld [tilespmem:s0+$0x0];
	v7 =	vadd.s32 v1, v8;
	[tilespmem:s1+$0x0] =	vst v9  }
0x36: {  	v8 =	vld [tilespmem:s0+$0xFFFFFFF0];
	_ =	sdelay $0x1  }
0x37: {  	[tilespmem:s1+$0xFFFFFFF0] =	vst v7;
	v4 =	vadd.s32 v1, v4  }
0x38: {  	[tilespmem:s0+$0xFFFFFFE0] =	vst v4;
	v4 =	vadd.s32 v1, v5  }
0x39: {  	v5 =	vadd.s32 v1, v6;
	[tilespmem:s0+$0x10] =	vst v4  }
0x3a: {  	v4 =	vadd.s32 v1, v8;
	[tilespmem:s0+$0x0] =	vst v5  }
0x3b: {  	[tilespmem:s0+$0xFFFFFFF0] =	vst v4  }
0x3c: {  	v4 =	vld [tilespmem:$0x0];
	_ =	sdelay $0x4  }
0x3d: {  	v5 =	vshll.u32 v4, $0x3  }
0x3e: {  	v4 =	vand.u32 $0x7, v4;
	v5 =	vand.u32 $0xFFFFFFC0, v5  }
0x3f: {  	v4 =	vor.u32 v4, v5  }
0x40: {  	v5 =	vperm.xlane v4, v0;
	_ =	sdelay $0x1  }
0x41: {  	v5 =	vadd.s32 v2, v5;
	_ =	sdelay $0x3  }
0x42: {  	s6 =	simm.s32 $0x0;
	s26 =	simm.s32 $0x1000;
	s0 =	rddreg [dreg:$0x0]  }
0x43: {  	[tilespmem:s26], [sflag:$0x1] =	stream.indirect_vreg.gather [hbm4b:s0+s6], $0x80, v5, vm0, $0xb8;
	[tilespmem:$0x13000] =	vst v63  }
0x44: {  	s2 =	simm.s32 $0x1800;
	s1 =	rddreg [dreg:$0x6];
	v4 =	vperm.xlane v4, v3  }
0x45: {  	[tilespmem:s2], [sflag:$0x1] =	stream.indirect_vreg.gather [hbm4b:s1+s6], $0x80, v5, vm0, $0xb8;
	[tilespmem:$0x13000] =	vst v63  }
0x46: {  	s3 =	simm.s32 $0x2000;
	v4 =	vadd.s32 v2, v4;
	s2 =	rddreg [dreg:$0x7]  }
0x47: {  	[tilespmem:s3], [sflag:$0x1] =	stream.indirect_vreg.gather [hbm4b:s2+s6], $0x80, v5, vm0, $0xb8;
	[tilespmem:$0x13000] =	vst v63  }
0x48: {  	s5 =	simm.s32 $0x2800;
	s3 =	rddreg [dreg:$0x8]  }
0x49: {  	[tilespmem:s5], [sflag:$0x1] =	stream.indirect_vreg.gather [hbm4b:s3+s6], $0x80, v5, vm0, $0xb8;
	[tilespmem:$0x13000] =	vst v63  }
0x4a: {  	s28 =	simm.s32 $0x3000  }
0x4b: {  	[tilespmem:s28], [sflag:$0x1] =	stream.indirect_vreg.gather [hbm4b:s0+s6], $0x80, v4, vm0, $0xb8;
	[tilespmem:$0x13000] =	vst v63  }
0x4c: {  	s29 =	simm.s32 $0x3800  }
0x4d: {  	[tilespmem:s29], [sflag:$0x1] =	stream.indirect_vreg.gather [hbm4b:s1+s6], $0x80, v4, vm0, $0xb8;
	[tilespmem:$0x13000] =	vst v63  }
0x4e: {  	s30 =	simm.s32 $0x4000  }
0x4f: {  	[tilespmem:s30], [sflag:$0x1] =	stream.indirect_vreg.gather [hbm4b:s2+s6], $0x80, v4, vm0, $0xb8;
	[tilespmem:$0x13000] =	vst v63  }
0x50: {  	s31 =	simm.s32 $0x4800  }
0x51: {  	[tilespmem:s31], [sflag:$0x1] =	stream.indirect_vreg.gather [hbm4b:s3+s6], $0x80, v4, vm0, $0xb8;
	[tilespmem:$0x13000] =	vst v63  }
0x52: {  	v4 =	vld [tilespmem:$0x10];
	_ =	sdelay $0x4  }
0x53: {  	v5 =	vshll.u32 v4, $0x3  }
0x54: {  	v4 =	vand.u32 $0x7, v4;
	v5 =	vand.u32 $0xFFFFFFC0, v5  }
0x55: {  	v4 =	vor.u32 v4, v5  }
0x56: {  	v5 =	vperm.xlane v4, v0;
	_ =	sdelay $0x1  }
0x57: {  	v5 =	vadd.s32 v2, v5;
	_ =	sdelay $0x3  }
0x58: {  	s7 =	simm.s32 $0x5000  }
0x59: {  	[tilespmem:s7], [sflag:$0x2] =	stream.indirect_vreg.gather [hbm4b:s0+s6], $0x80, v5, vm0, $0xb8;
	[tilespmem:$0x13000] =	vst v63  }
0x5a: {  	s8 =	simm.s32 $0x5800;
	v4 =	vperm.xlane v4, v3  }
0x5b: {  	[tilespmem:s8], [sflag:$0x2] =	stream.indirect_vreg.gather [hbm4b:s1+s6], $0x80, v5, vm0, $0xb8;
	[tilespmem:$0x13000] =	vst v63  }
0x5c: {  	s9 =	simm.s32 $0x6000;
	v4 =	vadd.s32 v2, v4  }
0x5d: {  	[tilespmem:s9], [sflag:$0x2] =	stream.indirect_vreg.gather [hbm4b:s2+s6], $0x80, v5, vm0, $0xb8;
	[tilespmem:$0x13000] =	vst v63  }
0x5e: {  	s10 =	simm.s32 $0x6800  }
0x5f: {  	[tilespmem:s10], [sflag:$0x2] =	stream.indirect_vreg.gather [hbm4b:s3+s6], $0x80, v5, vm0, $0xb8;
	[tilespmem:$0x13000] =	vst v63  }
0x60: {  	s11 =	simm.s32 $0x7000  }
0x61: {  	[tilespmem:s11], [sflag:$0x2] =	stream.indirect_vreg.gather [hbm4b:s0+s6], $0x80, v4, vm0, $0xb8;
	[tilespmem:$0x13000] =	vst v63  }
0x62: {  	s12 =	simm.s32 $0x7800  }
0x63: {  	[tilespmem:s12], [sflag:$0x2] =	stream.indirect_vreg.gather [hbm4b:s1+s6], $0x80, v4, vm0, $0xb8;
	[tilespmem:$0x13000] =	vst v63  }
0x64: {  	s13 =	simm.s32 $0x8000  }
0x65: {  	[tilespmem:s13], [sflag:$0x2] =	stream.indirect_vreg.gather [hbm4b:s2+s6], $0x80, v4, vm0, $0xb8;
	[tilespmem:$0x13000] =	vst v63  }
0x66: {  	s14 =	simm.s32 $0x8800  }
0x67: {  	[tilespmem:s14], [sflag:$0x2] =	stream.indirect_vreg.gather [hbm4b:s3+s6], $0x80, v4, vm0, $0xb8;
	[tilespmem:$0x13000] =	vst v63  }
0x68: {  	v4 =	vld [tilespmem:$0x20];
	_ =	sdelay $0x4  }
0x69: {  	v5 =	vshll.u32 v4, $0x3  }
0x6a: {  	v4 =	vand.u32 $0x7, v4;
	v5 =	vand.u32 $0xFFFFFFC0, v5  }
0x6b: {  	v4 =	vor.u32 v4, v5  }
0x6c: {  	v5 =	vperm.xlane v4, v0;
	_ =	sdelay $0x1  }
0x6d: {  	v5 =	vadd.s32 v2, v5;
	_ =	sdelay $0x3  }
0x6e: {  	s15 =	simm.s32 $0x9000  }
0x6f: {  	[tilespmem:s15], [sflag:$0x3] =	stream.indirect_vreg.gather [hbm4b:s0+s6], $0x80, v5, vm0, $0xb8;
	[tilespmem:$0x13000] =	vst v63  }
0x70: {  	s16 =	simm.s32 $0x9800;
	v4 =	vperm.xlane v4, v3  }
0x71: {  	[tilespmem:s16], [sflag:$0x3] =	stream.indirect_vreg.gather [hbm4b:s1+s6], $0x80, v5, vm0, $0xb8;
	[tilespmem:$0x13000] =	vst v63  }
0x72: {  	s17 =	simm.s32 $0xA000;
	v4 =	vadd.s32 v2, v4  }
0x73: {  	[tilespmem:s17], [sflag:$0x3] =	stream.indirect_vreg.gather [hbm4b:s2+s6], $0x80, v5, vm0, $0xb8;
	[tilespmem:$0x13000] =	vst v63  }
0x74: {  	s18 =	simm.s32 $0xA800  }
0x75: {  	[tilespmem:s18], [sflag:$0x3] =	stream.indirect_vreg.gather [hbm4b:s3+s6], $0x80, v5, vm0, $0xb8;
	[tilespmem:$0x13000] =	vst v63  }
0x76: {  	s19 =	simm.s32 $0xB000  }
0x77: {  	[tilespmem:s19], [sflag:$0x3] =	stream.indirect_vreg.gather [hbm4b:s0+s6], $0x80, v4, vm0, $0xb8;
	[tilespmem:$0x13000] =	vst v63  }
0x78: {  	s20 =	simm.s32 $0xB800  }
0x79: {  	[tilespmem:s20], [sflag:$0x3] =	stream.indirect_vreg.gather [hbm4b:s1+s6], $0x80, v4, vm0, $0xb8;
	[tilespmem:$0x13000] =	vst v63  }
0x7a: {  	s21 =	simm.s32 $0xC000  }
0x7b: {  	[tilespmem:s21], [sflag:$0x3] =	stream.indirect_vreg.gather [hbm4b:s2+s6], $0x80, v4, vm0, $0xb8;
	[tilespmem:$0x13000] =	vst v63  }
0x7c: {  	s22 =	simm.s32 $0xC800  }
0x7d: {  	[tilespmem:s22], [sflag:$0x3] =	stream.indirect_vreg.gather [hbm4b:s3+s6], $0x80, v4, vm0, $0xb8;
	[tilespmem:$0x13000] =	vst v63  }
0x7e: {  	v4 =	vld [tilespmem:$0x30];
	_ =	sdelay $0x4  }
0x7f: {  	v5 =	vshll.u32 v4, $0x3  }
0x80: {  	v4 =	vand.u32 $0x7, v4;
	v5 =	vand.u32 $0xFFFFFFC0, v5  }
0x81: {  	v4 =	vor.u32 v4, v5  }
0x82: {  	v5 =	vperm.xlane v4, v0;
	_ =	sdelay $0x1  }
0x83: {  	v5 =	vadd.s32 v2, v5;
	_ =	sdelay $0x3  }
0x84: {  	s23 =	simm.s32 $0xD000  }
0x85: {  	[tilespmem:s23], [sflag:$0x4] =	stream.indirect_vreg.gather [hbm4b:s0+s6], $0x80, v5, vm0, $0xb8;
	[tilespmem:$0x13000] =	vst v63  }
0x86: {  	s24 =	simm.s32 $0xD800;
	v4 =	vperm.xlane v4, v3  }
0x87: {  	[tilespmem:s24], [sflag:$0x4] =	stream.indirect_vreg.gather [hbm4b:s1+s6], $0x80, v5, vm0, $0xb8;
	[tilespmem:$0x13000] =	vst v63  }
0x88: {  	s25 =	simm.s32 $0xE000;
	v4 =	vadd.s32 v2, v4  }
0x89: {  	[tilespmem:s25], [sflag:$0x4] =	stream.indirect_vreg.gather [hbm4b:s2+s6], $0x80, v5, vm0, $0xb8;
	[tilespmem:$0x13000] =	vst v63  }
0x8a: {  	s26 =	simm.s32 $0xE800  }
0x8b: {  	[tilespmem:s26], [sflag:$0x4] =	stream.indirect_vreg.gather [hbm4b:s3+s6], $0x80, v5, vm0, $0xb8;
	[tilespmem:$0x13000] =	vst v63  }
0x8c: {  	s28 =	simm.s32 $0xF000  }
0x8d: {  	[tilespmem:s28], [sflag:$0x4] =	stream.indirect_vreg.gather [hbm4b:s0+s6], $0x80, v4, vm0, $0xb8;
	[tilespmem:$0x13000] =	vst v63  }
0x8e: {  	s29 =	simm.s32 $0xF800  }
0x8f: {  	[tilespmem:s29], [sflag:$0x4] =	stream.indirect_vreg.gather [hbm4b:s1+s6], $0x80, v4, vm0, $0xb8;
	[tilespmem:$0x13000] =	vst v63  }
0x90: {  	s30 =	simm.s32 $0x10000  }
0x91: {  	[tilespmem:s30], [sflag:$0x4] =	stream.indirect_vreg.gather [hbm4b:s2+s6], $0x80, v4, vm0, $0xb8;
	[tilespmem:$0x13000] =	vst v63  }
0x92: {  	s31 =	simm.s32 $0x10800;
	s18 =	simm.s32 $0x0  }
0x93: {  	[tilespmem:s31], [sflag:$0x4] =	stream.indirect_vreg.gather [hbm4b:s3+s6], $0x80, v4, vm0, $0xb8;
	[tilespmem:$0x13000] =	vst v63  }
.LBB2_4:
0x94: {  	s0 =	simm.s32 $0x1  }
0x95: {  	_ =	swait.ge [sflag:s0], $0x4000  }
0x96: {  	p0 =	seq.s32 s18, $0x0;
	[sflag:s0] =	ssyncset.done $0x0  }
0x97: {  	s1 =	simm.s32 $0x0;
	[sflag:s0] =	ssyncadd.s32 $0xFFFFC000;
	s0 =	simm.s32 @!p0 $0x5  }
0x98: {  	s3 =	sand.u32 $0x40, s1;
	s5 =	sand.u32 $0x1C00, s1;
	_ =	swait.ge @!p0 [sflag:s0], $0x800  }
0x99: {  	s6 =	sadd.s32 $0x1000, s5;
	s10 =	sor.u32 $0x30, s3;
	[sflag:s0] =	ssyncset.done @!p0 $0x0  }
0x9a: {  	s28 =	sor.u32 s10, s6;
	[sflag:s0] =	ssyncadd.s32 @!p0 $0xFFFFF800  }
0x9b: {  	v4 =	vld [tilespmem:s28+$0x0]  }
0x9c: {  	s1 =	sor.u32 s3, s6;
	v5 =	vld [tilespmem:s28+$0x80]  }
0x9d: {  	v6 =	vld [tilespmem:s1+$0x0]  }
0x9e: {  	v7 =	vld [tilespmem:s28+$0x100]  }
0x9f: {  	s11 =	sor.u32 $0x10, s3;
	v8 =	vld [tilespmem:s1+$0x80]  }
0xa0: {  	s20 =	sor.u32 s11, s6;
	v9 =	vld [tilespmem:s28+$0x180]  }
0xa1: {  	v10 =	vld [tilespmem:s20+$0x0]  }
0xa2: {  	v11 =	vld [tilespmem:s28+$0x200]  }
0xa3: {  	s12 =	sor.u32 $0x20, s3;
	v12 =	vld [tilespmem:s20+$0x80]  }
0xa4: {  	s21 =	sor.u32 s12, s6;
	v13 =	vld [tilespmem:s28+$0x280]  }
0xa5: {  	v14 =	vld [tilespmem:s21+$0x0]  }
0xa6: {  	v15 =	vld [tilespmem:s28+$0x300]  }
0xa7: {  	v16 =	vld [tilespmem:s21+$0x80]  }
0xa8: {  	v17 =	vld [tilespmem:s1+$0x100];
	v4 =	vadd.f32 v5, v4  }
0xa9: {  	v18 =	vld [tilespmem:s21+$0x100]  }
0xaa: {  	v19 =	vld [tilespmem:s20+$0x180];
	v4 =	vadd.f32 v7, v4  }
0xab: {  	v60 =	vld [tilespmem:s20+$0x200]  }
0xac: {  	v5 =	vld [tilespmem:s28+$0x380];
	v4 =	vadd.f32 v9, v4  }
0xad: {  	v7 =	vld [tilespmem:s20+$0x100]  }
0xae: {  	v9 =	vld [tilespmem:s1+$0x180];
	v4 =	vadd.f32 v11, v4  }
0xaf: {  	v6 =	vadd.f32 v8, v6;
	v8 =	vld [tilespmem:s1+$0x200]  }
0xb0: {  	v10 =	vadd.f32 v12, v10;
	v11 =	vld [tilespmem:s21+$0x180];
	v4 =	vadd.f32 v13, v4  }
0xb1: {  	v62 =	vld [tilespmem:s21+$0x200];
	v61 =	vadd.f32 v16, v14;
	v6 =	vadd.f32 v17, v6  }
0xb2: {  	v63 =	vld [tilespmem:s1+$0x280];
	v7 =	vadd.f32 v7, v10;
	v15 =	vadd.f32 v15, v4  }
0xb3: {  	s2 =	sshll.u32 s18, $0x8;
	v10 =	vadd.f32 v18, v61;
	v6 =	vadd.f32 v9, v6;
	v4 =	vld [tilespmem:s20+$0x280]  }
0xb4: {  	s29 =	sshrl.u32 s5, $0x2;
	v7 =	vadd.f32 v19, v7;
	v9 =	vadd.f32 v5, v15;
	v5 =	vld [tilespmem:s21+$0x280];
	[dreg:$0xe] =	wrdreg s2  }
0xb5: {  	s14 =	simm.s32 $0x200;
	s30 =	sor.u32 $0x11000, s29;
	v10 =	vadd.f32 v11, v10;
	v8 =	vadd.f32 v8, v6;
	v6 =	vld [tilespmem:s1+$0x300]  }
0xb6: {  	s5 =	simm.s32 $0x0;
	s11 =	sor.u32 s11, s30;
	s31 =	sor.u32 s10, s30;
	v11 =	vadd.f32 v60, v7;
	v7 =	vld [tilespmem:s20+$0x300]  }
0xb7: {  	s12 =	sor.u32 s12, s30;
	s10 =	simm.s32 $0x40;
	s0 =	sor.u32 s3, s30;
	v10 =	vadd.f32 v62, v10;
	[tilespmem:s31+$0x0] =	vst v9;
	v9 =	vadd.f32 v63, v8;
	v8 =	vld [tilespmem:s21+$0x300]  }
.LBB2_5:
0xb8: {  	s13 =	sand.u32 $0x40, s10;
	s17 =	sand.u32 $0x1C00, s14;
	v12 =	vld [tilespmem:s1+$0x380];
	v4 =	vadd.f32 v4, v11  }
0xb9: {  	s5 =	sadd.s32 $0x4, s5;
	s3 =	sadd.s32 $0x1000, s17;
	s16 =	sor.u32 $0x30, s13;
	v11 =	vld [tilespmem:s20+$0x380];
	v5 =	vadd.f32 v5, v10  }
0xba: {  	s6 =	sor.u32 $0x10, s13;
	p1 =	slt.u32 s5, $0x3C;
	s22 =	sor.u32 s16, s3;
	v6 =	vadd.f32 v6, v9;
	v9 =	vld [tilespmem:s21+$0x380]  }
0xbb: {  	s15 =	sor.u32 $0x20, s13;
	s1 =	sor.u32 s13, s3;
	s20 =	sor.u32 s6, s3;
	v10 =	vld [tilespmem:s22+$0x0];
	v4 =	vadd.f32 v7, v4  }
0xbc: {  	s21 =	sor.u32 s15, s3;
	v7 =	vld [tilespmem:s22+$0x80];
	v5 =	vadd.f32 v8, v5  }
0xbd: {  	v8 =	vld [tilespmem:s1+$0x0];
	v6 =	vadd.f32 v12, v6  }
0xbe: {  	v12 =	vld [tilespmem:s22+$0x100];
	v4 =	vadd.f32 v11, v4  }
0xbf: {  	v11 =	vld [tilespmem:s1+$0x80];
	[tilespmem:s0+$0x0] =	vst v6;
	v5 =	vadd.f32 v9, v5  }
0xc0: {  	v6 =	vld [tilespmem:s22+$0x180];
	[tilespmem:s11+$0x0] =	vst v4  }
0xc1: {  	v4 =	vld [tilespmem:s20+$0x0];
	v7 =	vadd.f32 v7, v10;
	[tilespmem:s12+$0x0] =	vst v5  }
0xc2: {  	v5 =	vld [tilespmem:s22+$0x200]  }
0xc3: {  	v9 =	vld [tilespmem:s20+$0x80];
	v7 =	vadd.f32 v12, v7  }
0xc4: {  	v8 =	vadd.f32 v11, v8;
	v10 =	vld [tilespmem:s22+$0x280]  }
0xc5: {  	v11 =	vld [tilespmem:s21+$0x0];
	v6 =	vadd.f32 v6, v7  }
0xc6: {  	v7 =	vld [tilespmem:s22+$0x300]  }
0xc7: {  	v12 =	vld [tilespmem:s21+$0x80];
	v5 =	vadd.f32 v5, v6  }
0xc8: {  	v4 =	vadd.f32 v9, v4;
	v6 =	vld [tilespmem:s22+$0x380]  }
0xc9: {  	v9 =	vld [tilespmem:s1+$0x100];
	v5 =	vadd.f32 v10, v5  }
0xca: {  	v10 =	vld [tilespmem:s20+$0x100]  }
0xcb: {  	v13 =	vld [tilespmem:s21+$0x100];
	v5 =	vadd.f32 v7, v5  }
0xcc: {  	s0 =	sshrl.u32 s17, $0x2;
	v7 =	vld [tilespmem:s1+$0x180];
	v11 =	vadd.f32 v12, v11  }
0xcd: {  	s3 =	sor.u32 $0x11000, s0;
	v12 =	vld [tilespmem:s20+$0x180];
	v5 =	vadd.f32 v6, v5  }
0xce: {  	s0 =	sor.u32 s13, s3;
	s11 =	sor.u32 s6, s3;
	s6 =	sor.u32 s16, s3;
	v6 =	vadd.f32 v9, v8;
	v8 =	vld [tilespmem:s21+$0x180]  }
0xcf: {  	s12 =	sor.u32 s15, s3;
	s3 =	simm.s32 $0x0;
	v9 =	vld [tilespmem:s1+$0x200];
	v4 =	vadd.f32 v10, v4;
	[tilespmem:s6+$0x0] =	vst v5  }
0xd0: {  	v10 =	vld [tilespmem:s20+$0x200];
	v5 =	vadd.f32 v13, v11  }
0xd1: {  	v6 =	vadd.f32 v7, v6;
	v13 =	vld [tilespmem:s21+$0x200]  }
0xd2: {  	v14 =	vld [tilespmem:s1+$0x280];
	v7 =	vadd.f32 v12, v4  }
.Ltmp3:
0xd3: {  	v4 =	vld [tilespmem:s20+$0x280];
	v8 =	vadd.f32 v8, v5;
	(pc) =	sbr.rel @p1 .LBB2_5-.Ltmp3, $4  }
0xd4: {  	v9 =	vadd.f32 v9, v6;
	v5 =	vld [tilespmem:s21+$0x280]  }
0xd5: {  	v6 =	vld [tilespmem:s1+$0x300];
	v11 =	vadd.f32 v10, v7  }
0xd6: {  	v7 =	vld [tilespmem:s20+$0x300];
	v10 =	vadd.f32 v13, v8  }
0xd7: {  	s10 =	sadd.s32 $0x40, s10;
	s14 =	sadd.s32 $0x200, s14;
	v9 =	vadd.f32 v14, v9;
	v8 =	vld [tilespmem:s21+$0x300]  }
0xd8: {  	v12 =	vld [tilespmem:s1+$0x380]  }
0xd9: {  	v13 =	vld [tilespmem:s20+$0x380]  }
0xda: {  	v4 =	vadd.f32 v4, v11;
	v11 =	vld [tilespmem:s21+$0x380]  }
0xdb: {  	v5 =	vadd.f32 v5, v10;
	v6 =	vadd.f32 v6, v9  }
0xdc: {  	v4 =	vadd.f32 v7, v4  }
0xdd: {  	v5 =	vadd.f32 v8, v5;
	v6 =	vadd.f32 v12, v6  }
0xde: {  	v4 =	vadd.f32 v13, v4  }
0xdf: {  	s10 =	sand.u32 $0x1C00, s3;
	v5 =	vadd.f32 v11, v5;
	[tilespmem:s0+$0x0] =	vst v6  }
0xe0: {  	s20 =	sadd.s32 $0x3000, s10;
	s0 =	sand.u32 $0x40, s3;
	[tilespmem:s11+$0x0] =	vst v4  }
0xe1: {  	s3 =	sadd.s32 $0x3080, s10;
	[tilespmem:s12+$0x0] =	vst v5;
	s22 =	sor.u32 s0, s20  }
0xe2: {  	s23 =	sadd.s32 $0x3100, s10;
	s13 =	sor.u32 s0, s3;
	v6 =	vld [tilespmem:s22+$0x0]  }
0xe3: {  	s5 =	sor.u32 $0x30, s0;
	s7 =	sor.u32 s0, s23;
	v8 =	vld [tilespmem:s13+$0x0]  }
0xe4: {  	s6 =	sor.u32 s5, s20;
	v17 =	vld [tilespmem:s7+$0x0]  }
0xe5: {  	s21 =	sor.u32 s5, s3;
	v4 =	vld [tilespmem:s6+$0x0]  }
0xe6: {  	s14 =	sadd.s32 $0x3180, s10;
	s24 =	sor.u32 s5, s23;
	v5 =	vld [tilespmem:s21+$0x0]  }
0xe7: {  	s11 =	sor.u32 $0x10, s0;
	s25 =	sor.u32 s5, s14;
	v7 =	vld [tilespmem:s24+$0x0]  }
0xe8: {  	s15 =	sadd.s32 $0x3200, s10;
	s26 =	sor.u32 s11, s20;
	v9 =	vld [tilespmem:s25+$0x0]  }
0xe9: {  	s28 =	sor.u32 s5, s15;
	v10 =	vld [tilespmem:s26+$0x0]  }
0xea: {  	s16 =	sadd.s32 $0x3280, s10;
	s29 =	sor.u32 s11, s3;
	v11 =	vld [tilespmem:s28+$0x0]  }
0xeb: {  	s17 =	sadd.s32 $0x3300, s10;
	s30 =	sor.u32 s5, s16;
	v58 =	vld [tilespmem:s29+$0x0]  }
0xec: {  	s31 =	sor.u32 s5, s17;
	v59 =	vld [tilespmem:s30+$0x0]  }
0xed: {  	s19 =	sor.u32 s11, s14;
	v15 =	vld [tilespmem:s31+$0x0]  }
0xee: {  	s22 =	sor.u32 s11, s15;
	s6 =	sor.u32 $0x20, s0;
	v19 =	vld [tilespmem:s19+$0x0]  }
0xef: {  	v60 =	vld [tilespmem:s22+$0x0];
	s1 =	sor.u32 s6, s20;
	v4 =	vadd.f32 v5, v4  }
0xf0: {  	s3 =	sor.u32 s6, s3;
	v14 =	vld [tilespmem:s1+$0x0]  }
0xf1: {  	s9 =	sor.u32 s6, s23;
	v16 =	vld [tilespmem:s3+$0x0];
	v4 =	vadd.f32 v7, v4  }
0xf2: {  	s21 =	sor.u32 s0, s15;
	v18 =	vld [tilespmem:s9+$0x0]  }
0xf3: {  	s8 =	sor.u32 s11, s23;
	v6 =	vadd.f32 v8, v6;
	v8 =	vld [tilespmem:s21+$0x0];
	v4 =	vadd.f32 v9, v4  }
0xf4: {  	s2 =	sadd.s32 $0x3380, s10;
	s12 =	sor.u32 s0, s14;
	v7 =	vld [tilespmem:s8+$0x0]  }
0xf5: {  	s3 =	sor.u32 s5, s2;
	v9 =	vld [tilespmem:s12+$0x0];
	v4 =	vadd.f32 v11, v4  }
0xf6: {  	s20 =	sor.u32 s6, s14;
	v5 =	vld [tilespmem:s3+$0x0]  }
0xf7: {  	s24 =	sor.u32 s0, s16;
	v10 =	vadd.f32 v58, v10;
	v11 =	vld [tilespmem:s20+$0x0];
	v4 =	vadd.f32 v59, v4  }
0xf8: {  	s23 =	sor.u32 s6, s15;
	v63 =	vld [tilespmem:s24+$0x0];
	v6 =	vadd.f32 v17, v6;
	v61 =	vadd.f32 v16, v14  }
0xf9: {  	s10 =	sshrl.u32 s10, $0x2;
	s25 =	sor.u32 s11, s16;
	v62 =	vld [tilespmem:s23+$0x0];
	v7 =	vadd.f32 v7, v10;
	v15 =	vadd.f32 v15, v4  }
0xfa: {  	s10 =	sor.u32 $0x11000, s10;
	s28 =	sor.u32 s0, s17;
	s26 =	sor.u32 s6, s16;
	v10 =	vadd.f32 v18, v61;
	v6 =	vadd.f32 v9, v6;
	v4 =	vld [tilespmem:s25+$0x0]  }
0xfb: {  	s29 =	sor.u32 s11, s17;
	s31 =	sor.u32 s5, s10;
	s30 =	sor.u32 s6, s17;
	v7 =	vadd.f32 v19, v7;
	v9 =	vadd.f32 v5, v15;
	v5 =	vld [tilespmem:s26+$0x0]  }
0xfc: {  	s16 =	sor.u32 s11, s2;
	s13 =	sor.u32 s6, s2;
	s11 =	sor.u32 s11, s10;
	v10 =	vadd.f32 v11, v10;
	v8 =	vadd.f32 v8, v6;
	v6 =	vld [tilespmem:s28+$0x0]  }
0xfd: {  	s14 =	simm.s32 $0x200;
	s1 =	simm.s32 $0x0;
	s23 =	sor.u32 s0, s2;
	v11 =	vadd.f32 v60, v7;
	v7 =	vld [tilespmem:s29+$0x0]  }
0xfe: {  	s5 =	simm.s32 $0x40;
	s12 =	sor.u32 s6, s10;
	s20 =	sor.u32 s0, s10;
	v10 =	vadd.f32 v62, v10;
	[tilespmem:s31+$0x80] =	vst v9;
	v9 =	vadd.f32 v63, v8;
	v8 =	vld [tilespmem:s30+$0x0]  }
.LBB2_7:
0xff: {  	s10 =	sand.u32 $0x40, s5;
	s21 =	sand.u32 $0x1C00, s14;
	v12 =	vld [tilespmem:s23+$0x0];
	v4 =	vadd.f32 v4, v11  }
0x100: {  	s1 =	sadd.s32 $0x4, s1;
	s3 =	sadd.s32 $0x3000, s21;
	s17 =	sor.u32 $0x30, s10;
	v11 =	vld [tilespmem:s16+$0x0];
	v5 =	vadd.f32 v5, v10  }
0x101: {  	s6 =	sadd.s32 $0x3080, s21;
	p1 =	slt.u32 s1, $0x3C;
	s15 =	sor.u32 s17, s3;
	v6 =	vadd.f32 v6, v9;
	v9 =	vld [tilespmem:s13+$0x0]  }
0x102: {  	s0 =	sor.u32 $0x10, s10;
	s22 =	sor.u32 $0x20, s10;
	s13 =	sor.u32 s17, s6;
	v10 =	vld [tilespmem:s15+$0x0];
	v4 =	vadd.f32 v7, v4  }
0x103: {  	s23 =	sadd.s32 $0x3100, s21;
	s16 =	sor.u32 s10, s6;
	s15 =	sor.u32 s10, s3;
	v7 =	vld [tilespmem:s13+$0x0];
	v5 =	vadd.f32 v8, v5  }
0x104: {  	s24 =	sor.u32 s17, s23;
	s13 =	sor.u32 s0, s3;
	v8 =	vld [tilespmem:s15+$0x0];
	s15 =	sor.u32 s0, s6;
	v6 =	vadd.f32 v12, v6  }
0x105: {  	s25 =	sadd.s32 $0x3180, s21;
	s26 =	sor.u32 s22, s3;
	s30 =	sor.u32 s22, s6;
	v12 =	vld [tilespmem:s24+$0x0];
	v4 =	vadd.f32 v11, v4  }
0x106: {  	s31 =	sor.u32 s0, s23;
	s3 =	sor.u32 s17, s25;
	s24 =	sor.u32 s10, s23;
	v11 =	vld [tilespmem:s16+$0x0];
	[tilespmem:s20+$0x80] =	vst v6;
	v5 =	vadd.f32 v9, v5  }
0x107: {  	s28 =	sor.u32 s22, s23;
	s6 =	sadd.s32 $0x3200, s21;
	s20 =	sor.u32 s10, s25;
	v6 =	vld [tilespmem:s3+$0x0];
	[tilespmem:s11+$0x80] =	vst v4  }
0x108: {  	s11 =	sor.u32 s0, s25;
	s25 =	sor.u32 s22, s25;
	s3 =	sor.u32 s17, s6;
	v4 =	vld [tilespmem:s13+$0x0];
	v7 =	vadd.f32 v7, v10;
	[tilespmem:s12+$0x80] =	vst v5  }
0x109: {  	s29 =	sor.u32 s0, s6;
	s12 =	sor.u32 s10, s6;
	s13 =	sadd.s32 $0x3280, s21;
	v5 =	vld [tilespmem:s3+$0x0]  }
0x10a: {  	s2 =	sor.u32 s22, s6;
	s3 =	sor.u32 s10, s13;
	s6 =	sor.u32 s17, s13;
	v9 =	vld [tilespmem:s15+$0x0];
	v7 =	vadd.f32 v12, v7  }
0x10b: {  	s16 =	sadd.s32 $0x3300, s21;
	s19 =	sor.u32 s0, s13;
	s15 =	sor.u32 s22, s13;
	v8 =	vadd.f32 v11, v8;
	v10 =	vld [tilespmem:s6+$0x0]  }
0x10c: {  	s7 =	sor.u32 s10, s16;
	s13 =	sor.u32 s17, s16;
	s6 =	sor.u32 s0, s16;
	v11 =	vld [tilespmem:s26+$0x0];
	v6 =	vadd.f32 v6, v7  }
0x10d: {  	s8 =	sor.u32 s22, s16;
	s26 =	sadd.s32 $0x3380, s21;
	v7 =	vld [tilespmem:s13+$0x0]  }
0x10e: {  	s23 =	sor.u32 s10, s26;
	s16 =	sor.u32 s0, s26;
	v12 =	vld [tilespmem:s30+$0x0];
	v5 =	vadd.f32 v5, v6;
	s30 =	sor.u32 s17, s26  }
0x10f: {  	s13 =	sor.u32 s22, s26;
	v4 =	vadd.f32 v9, v4;
	v6 =	vld [tilespmem:s30+$0x0]  }
0x110: {  	v9 =	vld [tilespmem:s24+$0x0];
	v5 =	vadd.f32 v10, v5  }
0x111: {  	v10 =	vld [tilespmem:s31+$0x0]  }
0x112: {  	v13 =	vld [tilespmem:s28+$0x0];
	v5 =	vadd.f32 v7, v5  }
0x113: {  	v7 =	vld [tilespmem:s20+$0x0];
	s20 =	sshrl.u32 s21, $0x2;
	v11 =	vadd.f32 v12, v11  }
0x114: {  	s21 =	sor.u32 $0x11000, s20;
	v12 =	vld [tilespmem:s11+$0x0];
	v5 =	vadd.f32 v6, v5  }
0x115: {  	v6 =	vadd.f32 v9, v8;
	s20 =	sor.u32 s10, s21;
	s11 =	sor.u32 s0, s21;
	v8 =	vld [tilespmem:s25+$0x0];
	s0 =	sor.u32 s17, s21  }
0x116: {  	v9 =	vld [tilespmem:s12+$0x0];
	v4 =	vadd.f32 v10, v4;
	s12 =	sor.u32 s22, s21;
	[tilespmem:s0+$0x80] =	vst v5  }
0x117: {  	v10 =	vld [tilespmem:s29+$0x0];
	v5 =	vadd.f32 v13, v11  }
0x118: {  	v6 =	vadd.f32 v7, v6;
	v13 =	vld [tilespmem:s2+$0x0]  }
0x119: {  	v14 =	vld [tilespmem:s3+$0x0];
	v7 =	vadd.f32 v12, v4  }
.Ltmp4:
0x11a: {  	v4 =	vld [tilespmem:s19+$0x0];
	v8 =	vadd.f32 v8, v5;
	(pc) =	sbr.rel @p1 .LBB2_7-.Ltmp4, $4  }
0x11b: {  	v9 =	vadd.f32 v9, v6;
	v5 =	vld [tilespmem:s15+$0x0]  }
0x11c: {  	v6 =	vld [tilespmem:s7+$0x0];
	v11 =	vadd.f32 v10, v7  }
0x11d: {  	v7 =	vld [tilespmem:s6+$0x0];
	v10 =	vadd.f32 v13, v8  }
0x11e: {  	s5 =	sadd.s32 $0x40, s5;
	s14 =	sadd.s32 $0x200, s14;
	v9 =	vadd.f32 v14, v9;
	v8 =	vld [tilespmem:s8+$0x0]  }
0x11f: {  	v12 =	vld [tilespmem:s23+$0x0]  }
0x120: {  	v13 =	vld [tilespmem:s16+$0x0]  }
0x121: {  	v4 =	vadd.f32 v4, v11  }
0x122: {  	v63 =	vld [tilespmem:s13+$0x0];
	v6 =	vadd.f32 v6, v9  }
0x123: {  	v5 =	vadd.f32 v5, v10;
	v4 =	vadd.f32 v7, v4  }
0x124: {  	v6 =	vadd.f32 v12, v6  }
0x125: {  	v5 =	vadd.f32 v8, v5;
	v4 =	vadd.f32 v13, v4  }
0x126: {  	p1 =	sne.s32 s18, $0x3F;
	[tilespmem:s20+$0x80] =	vst v6  }
.Ltmp5:
0x127: {  	s30 =	rddreg [dreg:$0x2];
	v5 =	vadd.f32 v63, v5;
	[tilespmem:s11+$0x80] =	vst v4;
	(pc) =	sbr.rel @p1 .LBB2_10-.Ltmp5, $4  }
0x128: {  	s0 =	sshll.u32 s18, $0xA;
	s1 =	rddreg [dreg:$0x4]  }
0x129: {  	s31 =	simm.s32 $0x100;
	s2 =	simm.s32 $0x400;
	[tilespmem:s12+$0x80] =	vst v5;
	s1 =	sadd.s32 s1, s0  }
0x12a: {  	s3 =	simm.s32 $0x11000;
	[dreg:$0xf] =	wrdreg s1;
	s0 =	sadd.s32 s30, s1  }
0x12b: {  	[hbm4b:s0+s31] =	stream.strided.scatter [tilespmem:s3], [sflag:$0x5], $0x800, s2, s31, $0x38;
	[tilespmem:$0x13000] =	vst v63  }
.Ltmp6:
0x12c: {  	(pc) =	sbr.rel .LBB2_11-.Ltmp6, $4  }
0x12d: {  	s0 =	simm.s32 $0x2  }
0x12e: {  	_ =	swait.ge [sflag:s0], $0x4000  }
0x12f: {  	[sflag:s0] =	ssyncset.done $0x0  }
0x130: {  	[sflag:s0] =	ssyncadd.s32 $0xFFFFC000  }
.LBB2_10:
0x131: {  	s0 =	rddreg [dreg:$0xe]  }
0x132: {  	s0 =	sshrl.u32 s0, $0x2  }
0x133: {  	v4 =	vld [tilespmem:s0+$0x40];
	_ =	sdelay $0x4  }
0x134: {  	v5 =	vshll.u32 v4, $0x3  }
0x135: {  	v4 =	vand.u32 $0x7, v4;
	v5 =	vand.u32 $0xFFFFFFC0, v5  }
0x136: {  	v4 =	vor.u32 v4, v5  }
0x137: {  	v5 =	vperm.xlane v4, v0;
	_ =	sdelay $0x1  }
0x138: {  	v5 =	vadd.s32 v2, v5;
	_ =	sdelay $0x3  }
0x139: {  	s22 =	rddreg [dreg:$0x0];
	s1 =	simm.s32 $0x1000  }
0x13a: {  	[tilespmem:s1], [sflag:$0x1] =	stream.indirect_vreg.gather [hbm4b:s22+s4], $0x80, v5, vm0, $0xb8;
	[tilespmem:$0x13000] =	vst v63  }
0x13b: {  	s23 =	rddreg [dreg:$0x6];
	s2 =	simm.s32 $0x1800;
	v4 =	vperm.xlane v4, v3  }
0x13c: {  	[tilespmem:s2], [sflag:$0x1] =	stream.indirect_vreg.gather [hbm4b:s23+s4], $0x80, v5, vm0, $0xb8;
	[tilespmem:$0x13000] =	vst v63  }
0x13d: {  	s24 =	rddreg [dreg:$0x7];
	s3 =	simm.s32 $0x2000;
	v4 =	vadd.s32 v2, v4  }
0x13e: {  	[tilespmem:s3], [sflag:$0x1] =	stream.indirect_vreg.gather [hbm4b:s24+s4], $0x80, v5, vm0, $0xb8;
	[tilespmem:$0x13000] =	vst v63  }
0x13f: {  	s25 =	rddreg [dreg:$0x8];
	s5 =	simm.s32 $0x2800  }
0x140: {  	[tilespmem:s5], [sflag:$0x1] =	stream.indirect_vreg.gather [hbm4b:s25+s4], $0x80, v5, vm0, $0xb8;
	[tilespmem:$0x13000] =	vst v63  }
0x141: {  	s26 =	simm.s32 $0x3000  }
0x142: {  	[tilespmem:s26], [sflag:$0x1] =	stream.indirect_vreg.gather [hbm4b:s22+s4], $0x80, v4, vm0, $0xb8;
	[tilespmem:$0x13000] =	vst v63  }
0x143: {  	s28 =	simm.s32 $0x3800  }
0x144: {  	[tilespmem:s28], [sflag:$0x1] =	stream.indirect_vreg.gather [hbm4b:s23+s4], $0x80, v4, vm0, $0xb8;
	[tilespmem:$0x13000] =	vst v63  }
0x145: {  	s29 =	simm.s32 $0x4000  }
0x146: {  	[tilespmem:s29], [sflag:$0x1] =	stream.indirect_vreg.gather [hbm4b:s24+s4], $0x80, v4, vm0, $0xb8;
	[tilespmem:$0x13000] =	vst v63  }
.Ltmp7:
0x147: {  	s30 =	simm.s32 $0x4800;
	s31 =	simm.s32 $0x2;
	(pc) =	sbr.rel @p0 .LBB2_12-.Ltmp7, $4  }
0x148: {  	[tilespmem:s30], [sflag:$0x1] =	stream.indirect_vreg.gather [hbm4b:s25+s4], $0x80, v4, vm0, $0xb8;
	[tilespmem:$0x13000] =	vst v63  }
0x149: {  	_ =	swait.ge [sflag:s31], $0x4000  }
0x14a: {  	[sflag:s31] =	ssyncset.done $0x0  }
0x14b: {  	[sflag:s31] =	ssyncadd.s32 $0xFFFFC000  }
.LBB2_11:
0x14c: {  	s0 =	simm.s32 $0x6  }
0x14d: {  	_ =	swait.ge [sflag:s0], $0x800  }
0x14e: {  	[sflag:s0] =	ssyncset.done $0x0  }
0x14f: {  	[sflag:s0] =	ssyncadd.s32 $0xFFFFF800  }
.LBB2_12:
0x150: {  	s0 =	simm.s32 $0x0  }
0x151: {  	s21 =	sand.u32 $0x40, s0;
	s1 =	sand.u32 $0x1C00, s0  }
0x152: {  	s0 =	sadd.s32 $0x5000, s1;
	s25 =	sor.u32 $0x30, s21  }
0x153: {  	s2 =	sor.u32 s25, s0  }
0x154: {  	v4 =	vld [tilespmem:s2+$0x0]  }
0x155: {  	s14 =	sor.u32 s21, s0;
	v5 =	vld [tilespmem:s2+$0x80]  }
0x156: {  	v6 =	vld [tilespmem:s14+$0x0]  }
0x157: {  	v7 =	vld [tilespmem:s2+$0x100]  }
0x158: {  	s22 =	sor.u32 $0x10, s21;
	v8 =	vld [tilespmem:s14+$0x80]  }
0x159: {  	s17 =	sor.u32 s22, s0;
	v9 =	vld [tilespmem:s2+$0x180]  }
0x15a: {  	v10 =	vld [tilespmem:s17+$0x0]  }
0x15b: {  	v11 =	vld [tilespmem:s2+$0x200]  }
0x15c: {  	s23 =	sor.u32 $0x20, s21;
	v12 =	vld [tilespmem:s17+$0x80]  }
0x15d: {  	s5 =	sor.u32 s23, s0;
	v13 =	vld [tilespmem:s2+$0x280]  }
0x15e: {  	v14 =	vld [tilespmem:s5+$0x0]  }
0x15f: {  	v15 =	vld [tilespmem:s2+$0x300]  }
0x160: {  	v16 =	vld [tilespmem:s5+$0x80]  }
0x161: {  	v17 =	vld [tilespmem:s14+$0x100];
	v4 =	vadd.f32 v5, v4  }
0x162: {  	v18 =	vld [tilespmem:s5+$0x100]  }
0x163: {  	v19 =	vld [tilespmem:s17+$0x180];
	v4 =	vadd.f32 v7, v4  }
0x164: {  	v60 =	vld [tilespmem:s17+$0x200]  }
0x165: {  	v5 =	vld [tilespmem:s2+$0x380];
	v4 =	vadd.f32 v9, v4  }
0x166: {  	v7 =	vld [tilespmem:s17+$0x100]  }
0x167: {  	v9 =	vld [tilespmem:s14+$0x180];
	v4 =	vadd.f32 v11, v4  }
0x168: {  	v6 =	vadd.f32 v8, v6;
	v8 =	vld [tilespmem:s14+$0x200]  }
0x169: {  	v10 =	vadd.f32 v12, v10;
	v11 =	vld [tilespmem:s5+$0x180];
	v4 =	vadd.f32 v13, v4  }
0x16a: {  	v62 =	vld [tilespmem:s5+$0x200];
	v61 =	vadd.f32 v16, v14;
	v6 =	vadd.f32 v17, v6  }
0x16b: {  	v63 =	vld [tilespmem:s14+$0x280];
	v7 =	vadd.f32 v7, v10;
	v15 =	vadd.f32 v15, v4  }
0x16c: {  	v10 =	vadd.f32 v18, v61;
	v6 =	vadd.f32 v9, v6;
	v4 =	vld [tilespmem:s17+$0x280]  }
0x16d: {  	s31 =	sshrl.u32 s1, $0x2;
	v7 =	vadd.f32 v19, v7;
	v9 =	vadd.f32 v5, v15;
	v5 =	vld [tilespmem:s5+$0x280]  }
0x16e: {  	s10 =	simm.s32 $0x0;
	s24 =	sor.u32 $0x11800, s31;
	v10 =	vadd.f32 v11, v10;
	v8 =	vadd.f32 v8, v6;
	v6 =	vld [tilespmem:s14+$0x300]  }
0x16f: {  	s11 =	simm.s32 $0x40;
	s12 =	simm.s32 $0x200;
	s30 =	sor.u32 s25, s24;
	v11 =	vadd.f32 v60, v7;
	v7 =	vld [tilespmem:s17+$0x300]  }
0x170: {  	s13 =	sor.u32 s21, s24;
	s0 =	sor.u32 s22, s24;
	s16 =	sor.u32 s23, s24;
	v10 =	vadd.f32 v62, v10;
	[tilespmem:s30+$0x0] =	vst v9;
	v9 =	vadd.f32 v63, v8;
	v8 =	vld [tilespmem:s5+$0x300]  }
.LBB2_13:
0x171: {  	s26 =	sand.u32 $0x40, s11;
	s6 =	sand.u32 $0x1C00, s12;
	v12 =	vld [tilespmem:s14+$0x380];
	v4 =	vadd.f32 v4, v11  }
0x172: {  	s10 =	sadd.s32 $0x4, s10;
	s2 =	sadd.s32 $0x5000, s6;
	s31 =	sor.u32 $0x30, s26;
	v11 =	vld [tilespmem:s17+$0x380];
	v5 =	vadd.f32 v5, v10  }
0x173: {  	s15 =	sor.u32 $0x10, s26;
	p2 =	slt.u32 s10, $0x3C;
	s7 =	sor.u32 s31, s2;
	v6 =	vadd.f32 v6, v9;
	v9 =	vld [tilespmem:s5+$0x380]  }
0x174: {  	s3 =	sor.u32 $0x20, s26;
	s14 =	sor.u32 s26, s2;
	s17 =	sor.u32 s15, s2;
	v10 =	vld [tilespmem:s7+$0x0];
	v4 =	vadd.f32 v7, v4  }
0x175: {  	s5 =	sor.u32 s3, s2;
	v7 =	vld [tilespmem:s7+$0x80];
	v5 =	vadd.f32 v8, v5  }
0x176: {  	v8 =	vld [tilespmem:s14+$0x0];
	v6 =	vadd.f32 v12, v6  }
0x177: {  	v12 =	vld [tilespmem:s7+$0x100];
	v4 =	vadd.f32 v11, v4  }
0x178: {  	v11 =	vld [tilespmem:s14+$0x80];
	[tilespmem:s13+$0x0] =	vst v6;
	v5 =	vadd.f32 v9, v5  }
0x179: {  	v6 =	vld [tilespmem:s7+$0x180];
	[tilespmem:s0+$0x0] =	vst v4  }
0x17a: {  	v4 =	vld [tilespmem:s17+$0x0];
	v7 =	vadd.f32 v7, v10;
	[tilespmem:s16+$0x0] =	vst v5  }
0x17b: {  	v5 =	vld [tilespmem:s7+$0x200]  }
0x17c: {  	v9 =	vld [tilespmem:s17+$0x80];
	v7 =	vadd.f32 v12, v7  }
0x17d: {  	v8 =	vadd.f32 v11, v8;
	v10 =	vld [tilespmem:s7+$0x280]  }
0x17e: {  	v11 =	vld [tilespmem:s5+$0x0];
	v6 =	vadd.f32 v6, v7  }
0x17f: {  	v7 =	vld [tilespmem:s7+$0x300]  }
0x180: {  	v12 =	vld [tilespmem:s5+$0x80];
	v5 =	vadd.f32 v5, v6  }
0x181: {  	v4 =	vadd.f32 v9, v4;
	v6 =	vld [tilespmem:s7+$0x380]  }
0x182: {  	v9 =	vld [tilespmem:s14+$0x100];
	v5 =	vadd.f32 v10, v5  }
0x183: {  	v10 =	vld [tilespmem:s17+$0x100]  }
0x184: {  	v13 =	vld [tilespmem:s5+$0x100];
	v5 =	vadd.f32 v7, v5  }
0x185: {  	s0 =	sshrl.u32 s6, $0x2;
	v7 =	vld [tilespmem:s14+$0x180];
	v11 =	vadd.f32 v12, v11  }
0x186: {  	s2 =	sor.u32 $0x11800, s0;
	v12 =	vld [tilespmem:s17+$0x180];
	v5 =	vadd.f32 v6, v5  }
0x187: {  	s13 =	sor.u32 s26, s2;
	s0 =	sor.u32 s15, s2;
	s6 =	sor.u32 s31, s2;
	v6 =	vadd.f32 v9, v8;
	v8 =	vld [tilespmem:s5+$0x180]  }
0x188: {  	s16 =	sor.u32 s3, s2;
	v9 =	vld [tilespmem:s14+$0x200];
	v4 =	vadd.f32 v10, v4;
	[tilespmem:s6+$0x0] =	vst v5  }
0x189: {  	v10 =	vld [tilespmem:s17+$0x200];
	v5 =	vadd.f32 v13, v11  }
0x18a: {  	v6 =	vadd.f32 v7, v6;
	v13 =	vld [tilespmem:s5+$0x200]  }
0x18b: {  	v14 =	vld [tilespmem:s14+$0x280];
	v7 =	vadd.f32 v12, v4  }
.Ltmp8:
0x18c: {  	v4 =	vld [tilespmem:s17+$0x280];
	v8 =	vadd.f32 v8, v5;
	(pc) =	sbr.rel @p2 .LBB2_13-.Ltmp8, $4  }
0x18d: {  	v9 =	vadd.f32 v9, v6;
	v5 =	vld [tilespmem:s5+$0x280]  }
0x18e: {  	v6 =	vld [tilespmem:s14+$0x300];
	v11 =	vadd.f32 v10, v7  }
0x18f: {  	v7 =	vld [tilespmem:s17+$0x300];
	v10 =	vadd.f32 v13, v8  }
0x190: {  	s11 =	sadd.s32 $0x40, s11;
	s12 =	sadd.s32 $0x200, s12;
	v9 =	vadd.f32 v14, v9;
	v8 =	vld [tilespmem:s5+$0x300]  }
0x191: {  	v12 =	vld [tilespmem:s14+$0x380]  }
0x192: {  	v13 =	vld [tilespmem:s17+$0x380]  }
0x193: {  	v4 =	vadd.f32 v4, v11;
	v11 =	vld [tilespmem:s5+$0x380]  }
0x194: {  	v5 =	vadd.f32 v5, v10;
	v6 =	vadd.f32 v6, v9  }
0x195: {  	v4 =	vadd.f32 v7, v4  }
0x196: {  	v5 =	vadd.f32 v8, v5;
	v6 =	vadd.f32 v12, v6  }
0x197: {  	v4 =	vadd.f32 v13, v4  }
0x198: {  	v5 =	vadd.f32 v11, v5;
	[tilespmem:s13+$0x0] =	vst v6  }
0x199: {  	[tilespmem:s0+$0x0] =	vst v4;
	s13 =	sadd.s32 $0x7000, s1  }
0x19a: {  	s2 =	sadd.s32 $0x7080, s1;
	[tilespmem:s16+$0x0] =	vst v5;
	s3 =	sor.u32 s25, s13  }
0x19b: {  	s14 =	sor.u32 s25, s2;
	v4 =	vld [tilespmem:s3+$0x0]  }
0x19c: {  	s6 =	sadd.s32 $0x7100, s1;
	s15 =	sor.u32 s21, s13;
	v5 =	vld [tilespmem:s14+$0x0]  }
0x19d: {  	s16 =	sor.u32 s25, s6;
	v6 =	vld [tilespmem:s15+$0x0]  }
0x19e: {  	s7 =	sadd.s32 $0x7180, s1;
	s17 =	sor.u32 s21, s2;
	v7 =	vld [tilespmem:s16+$0x0]  }
0x19f: {  	s19 =	sor.u32 s25, s7;
	v8 =	vld [tilespmem:s17+$0x0]  }
0x1a0: {  	s8 =	sadd.s32 $0x7200, s1;
	s20 =	sor.u32 s22, s13;
	v9 =	vld [tilespmem:s19+$0x0]  }
0x1a1: {  	s26 =	sor.u32 s25, s8;
	v10 =	vld [tilespmem:s20+$0x0]  }
0x1a2: {  	s10 =	sadd.s32 $0x7280, s1;
	s28 =	sor.u32 s22, s2;
	v11 =	vld [tilespmem:s26+$0x0]  }
0x1a3: {  	s29 =	sor.u32 s25, s10;
	v58 =	vld [tilespmem:s28+$0x0]  }
0x1a4: {  	s5 =	sadd.s32 $0x7300, s1;
	s0 =	sor.u32 s23, s13;
	v59 =	vld [tilespmem:s29+$0x0]  }
0x1a5: {  	s31 =	sor.u32 s25, s5;
	v14 =	vld [tilespmem:s0+$0x0]  }
0x1a6: {  	s2 =	sor.u32 s23, s2;
	v15 =	vld [tilespmem:s31+$0x0]  }
0x1a7: {  	s9 =	sor.u32 s21, s6;
	v16 =	vld [tilespmem:s2+$0x0]  }
0x1a8: {  	s12 =	sor.u32 s23, s6;
	v17 =	vld [tilespmem:s9+$0x0];
	v4 =	vadd.f32 v5, v4  }
0x1a9: {  	v18 =	vld [tilespmem:s12+$0x0];
	s14 =	sor.u32 s22, s7  }
0x1aa: {  	s3 =	sadd.s32 $0x7380, s1;
	s17 =	sor.u32 s22, s8;
	v19 =	vld [tilespmem:s14+$0x0];
	v4 =	vadd.f32 v7, v4  }
0x1ab: {  	s2 =	sor.u32 s25, s3;
	v60 =	vld [tilespmem:s17+$0x0]  }
0x1ac: {  	s11 =	sor.u32 s22, s6;
	v5 =	vld [tilespmem:s2+$0x0];
	v4 =	vadd.f32 v9, v4  }
0x1ad: {  	s13 =	sor.u32 s21, s7;
	v7 =	vld [tilespmem:s11+$0x0]  }
0x1ae: {  	s16 =	sor.u32 s21, s8;
	v9 =	vld [tilespmem:s13+$0x0];
	v4 =	vadd.f32 v11, v4  }
0x1af: {  	s15 =	sor.u32 s23, s7;
	v6 =	vadd.f32 v8, v6;
	v8 =	vld [tilespmem:s16+$0x0]  }
0x1b0: {  	s19 =	sor.u32 s23, s8;
	v10 =	vadd.f32 v58, v10;
	v11 =	vld [tilespmem:s15+$0x0];
	v4 =	vadd.f32 v59, v4  }
0x1b1: {  	s20 =	sor.u32 s21, s10;
	v62 =	vld [tilespmem:s19+$0x0];
	v61 =	vadd.f32 v16, v14;
	v6 =	vadd.f32 v17, v6  }
0x1b2: {  	s25 =	sor.u32 s22, s10;
	v63 =	vld [tilespmem:s20+$0x0];
	v7 =	vadd.f32 v7, v10;
	v15 =	vadd.f32 v15, v4  }
0x1b3: {  	s26 =	sor.u32 s23, s10;
	v10 =	vadd.f32 v18, v61;
	v6 =	vadd.f32 v9, v6;
	v4 =	vld [tilespmem:s25+$0x0]  }
0x1b4: {  	s1 =	simm.s32 $0x0;
	s28 =	sor.u32 s21, s5;
	s29 =	sor.u32 s22, s5;
	v7 =	vadd.f32 v19, v7;
	v9 =	vadd.f32 v5, v15;
	v5 =	vld [tilespmem:s26+$0x0]  }
0x1b5: {  	s31 =	sor.u32 s23, s5;
	s5 =	simm.s32 $0x40;
	s17 =	sor.u32 s23, s24;
	v10 =	vadd.f32 v11, v10;
	v8 =	vadd.f32 v8, v6;
	v6 =	vld [tilespmem:s28+$0x0]  }
0x1b6: {  	s14 =	simm.s32 $0x200;
	s16 =	sor.u32 s23, s3;
	s11 =	sor.u32 s22, s24;
	v11 =	vadd.f32 v60, v7;
	v7 =	vld [tilespmem:s29+$0x0]  }
0x1b7: {  	s13 =	sor.u32 s22, s3;
	s25 =	sor.u32 s21, s24;
	s26 =	sor.u32 s21, s3;
	v10 =	vadd.f32 v62, v10;
	[tilespmem:s30+$0x80] =	vst v9;
	v9 =	vadd.f32 v63, v8;
	v8 =	vld [tilespmem:s31+$0x0]  }
.LBB2_15:
0x1b8: {  	s10 =	sand.u32 $0x40, s5;
	s21 =	sand.u32 $0x1C00, s14;
	v12 =	vld [tilespmem:s26+$0x0];
	v4 =	vadd.f32 v4, v11  }
0x1b9: {  	s1 =	sadd.s32 $0x4, s1;
	s2 =	sadd.s32 $0x7000, s21;
	s12 =	sor.u32 $0x30, s10;
	v11 =	vld [tilespmem:s13+$0x0];
	v5 =	vadd.f32 v5, v10  }
0x1ba: {  	s3 =	sadd.s32 $0x7080, s21;
	p2 =	slt.u32 s1, $0x3C;
	s6 =	sor.u32 s12, s2;
	v6 =	vadd.f32 v6, v9;
	v9 =	vld [tilespmem:s16+$0x0]  }
0x1bb: {  	s0 =	sor.u32 $0x10, s10;
	s22 =	sor.u32 $0x20, s10;
	v10 =	vld [tilespmem:s6+$0x0];
	s6 =	sor.u32 s12, s3;
	v4 =	vadd.f32 v7, v4  }
0x1bc: {  	s13 =	sadd.s32 $0x7100, s21;
	s7 =	sor.u32 s10, s2;
	s8 =	sor.u32 s10, s3;
	v7 =	vld [tilespmem:s6+$0x0];
	v5 =	vadd.f32 v8, v5  }
0x1bd: {  	s15 =	sor.u32 s12, s13;
	s6 =	sor.u32 s0, s2;
	v8 =	vld [tilespmem:s7+$0x0];
	s7 =	sor.u32 s0, s3;
	v6 =	vadd.f32 v12, v6  }
0x1be: {  	s16 =	sadd.s32 $0x7180, s21;
	s19 =	sor.u32 s22, s3;
	s2 =	sor.u32 s22, s2;
	v12 =	vld [tilespmem:s15+$0x0];
	v4 =	vadd.f32 v11, v4  }
0x1bf: {  	s23 =	sor.u32 s0, s13;
	s3 =	sor.u32 s12, s16;
	v11 =	vld [tilespmem:s8+$0x0];
	s8 =	sor.u32 s10, s13;
	[tilespmem:s25+$0x80] =	vst v6;
	v5 =	vadd.f32 v9, v5  }
0x1c0: {  	s24 =	sor.u32 s10, s16;
	s15 =	sadd.s32 $0x7200, s21;
	s25 =	sor.u32 s22, s13;
	v6 =	vld [tilespmem:s3+$0x0];
	[tilespmem:s11+$0x80] =	vst v4  }
0x1c1: {  	s28 =	sor.u32 s22, s16;
	s11 =	sor.u32 s0, s16;
	s3 =	sor.u32 s12, s15;
	v4 =	vld [tilespmem:s6+$0x0];
	v7 =	vadd.f32 v7, v10;
	[tilespmem:s17+$0x80] =	vst v5  }
0x1c2: {  	s29 =	sor.u32 s0, s15;
	s17 =	sor.u32 s10, s15;
	s6 =	sadd.s32 $0x7280, s21;
	v5 =	vld [tilespmem:s3+$0x0]  }
0x1c3: {  	s3 =	sor.u32 s10, s6;
	s13 =	sor.u32 s12, s6;
	v9 =	vld [tilespmem:s7+$0x0];
	s7 =	sor.u32 s22, s15;
	v7 =	vadd.f32 v12, v7  }
0x1c4: {  	s16 =	sadd.s32 $0x7300, s21;
	s30 =	sor.u32 s0, s6;
	s15 =	sor.u32 s22, s6;
	v8 =	vadd.f32 v11, v8;
	v10 =	vld [tilespmem:s13+$0x0]  }
0x1c5: {  	s31 =	sor.u32 s10, s16;
	s6 =	sor.u32 s0, s16;
	v11 =	vld [tilespmem:s2+$0x0];
	v6 =	vadd.f32 v6, v7;
	s2 =	sor.u32 s12, s16  }
0x1c6: {  	s9 =	sadd.s32 $0x7380, s21;
	s20 =	sor.u32 s22, s16;
	v7 =	vld [tilespmem:s2+$0x0]  }
0x1c7: {  	s26 =	sor.u32 s10, s9;
	s13 =	sor.u32 s0, s9;
	s2 =	sor.u32 s12, s9;
	v12 =	vld [tilespmem:s19+$0x0];
	v5 =	vadd.f32 v5, v6  }
0x1c8: {  	s16 =	sor.u32 s22, s9;
	v4 =	vadd.f32 v9, v4;
	v6 =	vld [tilespmem:s2+$0x0]  }
0x1c9: {  	v9 =	vld [tilespmem:s8+$0x0];
	v5 =	vadd.f32 v10, v5  }
0x1ca: {  	v10 =	vld [tilespmem:s23+$0x0]  }
0x1cb: {  	v13 =	vld [tilespmem:s25+$0x0];
	v5 =	vadd.f32 v7, v5  }
0x1cc: {  	s2 =	sshrl.u32 s21, $0x2;
	v7 =	vld [tilespmem:s24+$0x0];
	v11 =	vadd.f32 v12, v11  }
0x1cd: {  	s2 =	sor.u32 $0x11800, s2;
	v12 =	vld [tilespmem:s11+$0x0];
	v5 =	vadd.f32 v6, v5  }
0x1ce: {  	s25 =	sor.u32 s10, s2;
	s11 =	sor.u32 s0, s2;
	s0 =	sor.u32 s12, s2;
	v6 =	vadd.f32 v9, v8;
	v8 =	vld [tilespmem:s28+$0x0]  }
0x1cf: {  	v9 =	vld [tilespmem:s17+$0x0];
	v4 =	vadd.f32 v10, v4;
	s17 =	sor.u32 s22, s2;
	[tilespmem:s0+$0x80] =	vst v5  }
0x1d0: {  	v10 =	vld [tilespmem:s29+$0x0];
	v5 =	vadd.f32 v13, v11  }
0x1d1: {  	v6 =	vadd.f32 v7, v6;
	v13 =	vld [tilespmem:s7+$0x0]  }
0x1d2: {  	v14 =	vld [tilespmem:s3+$0x0];
	v7 =	vadd.f32 v12, v4  }
.Ltmp9:
0x1d3: {  	v4 =	vld [tilespmem:s30+$0x0];
	v8 =	vadd.f32 v8, v5;
	(pc) =	sbr.rel @p2 .LBB2_15-.Ltmp9, $4  }
0x1d4: {  	v9 =	vadd.f32 v9, v6;
	v5 =	vld [tilespmem:s15+$0x0]  }
0x1d5: {  	v6 =	vld [tilespmem:s31+$0x0];
	v11 =	vadd.f32 v10, v7  }
0x1d6: {  	v7 =	vld [tilespmem:s6+$0x0];
	v10 =	vadd.f32 v13, v8  }
0x1d7: {  	s5 =	sadd.s32 $0x40, s5;
	s14 =	sadd.s32 $0x200, s14;
	v9 =	vadd.f32 v14, v9;
	v8 =	vld [tilespmem:s20+$0x0]  }
0x1d8: {  	v12 =	vld [tilespmem:s26+$0x0]  }
0x1d9: {  	v13 =	vld [tilespmem:s13+$0x0]  }
0x1da: {  	v4 =	vadd.f32 v4, v11;
	v63 =	vld [tilespmem:s16+$0x0]  }
0x1db: {  	v5 =	vadd.f32 v5, v10;
	v6 =	vadd.f32 v6, v9  }
0x1dc: {  	v4 =	vadd.f32 v7, v4  }
0x1dd: {  	v5 =	vadd.f32 v8, v5;
	v6 =	vadd.f32 v12, v6  }
0x1de: {  	v4 =	vadd.f32 v13, v4  }
0x1df: {  	v5 =	vadd.f32 v63, v5;
	[tilespmem:s25+$0x80] =	vst v6  }
0x1e0: {  	[tilespmem:s11+$0x80] =	vst v4  }
.Ltmp10:
0x1e1: {  	[tilespmem:s17+$0x80] =	vst v5;
	(pc) =	sbr.rel @p1 .LBB2_18-.Ltmp10, $4  }
0x1e2: {  	s0 =	rddreg [dreg:$0x9]  }
0x1e3: {  	s31 =	simm.s32 $0x100;
	s1 =	rddreg [dreg:$0xf]  }
0x1e4: {  	s2 =	simm.s32 $0x400;
	s3 =	simm.s32 $0x11800;
	s0 =	sadd.s32 s1, s0  }
0x1e5: {  	[hbm4b:s0+s31] =	stream.strided.scatter [tilespmem:s3], [sflag:$0x6], $0x800, s2, s31, $0x38;
	[tilespmem:$0x13000] =	vst v63  }
.Ltmp11:
0x1e6: {  	(pc) =	sbr.rel .LBB2_19-.Ltmp11, $4  }
0x1e7: {  	s0 =	simm.s32 $0x3  }
0x1e8: {  	_ =	swait.ge [sflag:s0], $0x4000  }
0x1e9: {  	[sflag:s0] =	ssyncset.done $0x0  }
0x1ea: {  	[sflag:s0] =	ssyncadd.s32 $0xFFFFC000  }
.LBB2_18:
0x1eb: {  	s0 =	rddreg [dreg:$0xe]  }
0x1ec: {  	s0 =	sshrl.u32 s0, $0x2  }
0x1ed: {  	v4 =	vld [tilespmem:s0+$0x50];
	_ =	sdelay $0x4  }
0x1ee: {  	v5 =	vshll.u32 v4, $0x3  }
0x1ef: {  	v4 =	vand.u32 $0x7, v4;
	v5 =	vand.u32 $0xFFFFFFC0, v5  }
0x1f0: {  	v4 =	vor.u32 v4, v5  }
0x1f1: {  	v5 =	vperm.xlane v4, v0;
	_ =	sdelay $0x1  }
0x1f2: {  	v5 =	vadd.s32 v2, v5;
	_ =	sdelay $0x3  }
0x1f3: {  	s22 =	rddreg [dreg:$0x0];
	s1 =	simm.s32 $0x5000  }
0x1f4: {  	[tilespmem:s1], [sflag:$0x2] =	stream.indirect_vreg.gather [hbm4b:s22+s4], $0x80, v5, vm0, $0xb8;
	[tilespmem:$0x13000] =	vst v63  }
0x1f5: {  	s23 =	rddreg [dreg:$0x6];
	s2 =	simm.s32 $0x5800;
	v4 =	vperm.xlane v4, v3  }
0x1f6: {  	[tilespmem:s2], [sflag:$0x2] =	stream.indirect_vreg.gather [hbm4b:s23+s4], $0x80, v5, vm0, $0xb8;
	[tilespmem:$0x13000] =	vst v63  }
0x1f7: {  	s24 =	rddreg [dreg:$0x7];
	s3 =	simm.s32 $0x6000;
	v4 =	vadd.s32 v2, v4  }
0x1f8: {  	[tilespmem:s3], [sflag:$0x2] =	stream.indirect_vreg.gather [hbm4b:s24+s4], $0x80, v5, vm0, $0xb8;
	[tilespmem:$0x13000] =	vst v63  }
0x1f9: {  	s25 =	rddreg [dreg:$0x8];
	s5 =	simm.s32 $0x6800  }
0x1fa: {  	[tilespmem:s5], [sflag:$0x2] =	stream.indirect_vreg.gather [hbm4b:s25+s4], $0x80, v5, vm0, $0xb8;
	[tilespmem:$0x13000] =	vst v63  }
0x1fb: {  	s26 =	simm.s32 $0x7000  }
0x1fc: {  	[tilespmem:s26], [sflag:$0x2] =	stream.indirect_vreg.gather [hbm4b:s22+s4], $0x80, v4, vm0, $0xb8;
	[tilespmem:$0x13000] =	vst v63  }
0x1fd: {  	s28 =	simm.s32 $0x7800  }
0x1fe: {  	[tilespmem:s28], [sflag:$0x2] =	stream.indirect_vreg.gather [hbm4b:s23+s4], $0x80, v4, vm0, $0xb8;
	[tilespmem:$0x13000] =	vst v63  }
0x1ff: {  	s29 =	simm.s32 $0x8000  }
0x200: {  	[tilespmem:s29], [sflag:$0x2] =	stream.indirect_vreg.gather [hbm4b:s24+s4], $0x80, v4, vm0, $0xb8;
	[tilespmem:$0x13000] =	vst v63  }
.Ltmp12:
0x201: {  	s30 =	simm.s32 $0x8800;
	s31 =	simm.s32 $0x3;
	(pc) =	sbr.rel @p0 .LBB2_20-.Ltmp12, $4  }
0x202: {  	[tilespmem:s30], [sflag:$0x2] =	stream.indirect_vreg.gather [hbm4b:s25+s4], $0x80, v4, vm0, $0xb8;
	[tilespmem:$0x13000] =	vst v63  }
0x203: {  	_ =	swait.ge [sflag:s31], $0x4000  }
0x204: {  	[sflag:s31] =	ssyncset.done $0x0  }
0x205: {  	[sflag:s31] =	ssyncadd.s32 $0xFFFFC000  }
.LBB2_19:
0x206: {  	s0 =	simm.s32 $0x7  }
0x207: {  	_ =	swait.ge [sflag:s0], $0x800  }
0x208: {  	[sflag:s0] =	ssyncset.done $0x0  }
0x209: {  	[sflag:s0] =	ssyncadd.s32 $0xFFFFF800  }
.LBB2_20:
0x20a: {  	s0 =	simm.s32 $0x0  }
0x20b: {  	s21 =	sand.u32 $0x40, s0;
	s1 =	sand.u32 $0x1C00, s0  }
0x20c: {  	s0 =	sadd.s32 $0x9000, s1;
	s25 =	sor.u32 $0x30, s21  }
0x20d: {  	s2 =	sor.u32 s25, s0  }
0x20e: {  	v4 =	vld [tilespmem:s2+$0x0]  }
0x20f: {  	s14 =	sor.u32 s21, s0;
	v5 =	vld [tilespmem:s2+$0x80]  }
0x210: {  	v6 =	vld [tilespmem:s14+$0x0]  }
0x211: {  	v7 =	vld [tilespmem:s2+$0x100]  }
0x212: {  	s22 =	sor.u32 $0x10, s21;
	v8 =	vld [tilespmem:s14+$0x80]  }
0x213: {  	s17 =	sor.u32 s22, s0;
	v9 =	vld [tilespmem:s2+$0x180]  }
0x214: {  	v10 =	vld [tilespmem:s17+$0x0]  }
0x215: {  	v11 =	vld [tilespmem:s2+$0x200]  }
0x216: {  	s23 =	sor.u32 $0x20, s21;
	v12 =	vld [tilespmem:s17+$0x80]  }
0x217: {  	s5 =	sor.u32 s23, s0;
	v13 =	vld [tilespmem:s2+$0x280]  }
0x218: {  	v14 =	vld [tilespmem:s5+$0x0]  }
0x219: {  	v15 =	vld [tilespmem:s2+$0x300]  }
0x21a: {  	v16 =	vld [tilespmem:s5+$0x80]  }
0x21b: {  	v17 =	vld [tilespmem:s14+$0x100];
	v4 =	vadd.f32 v5, v4  }
0x21c: {  	v18 =	vld [tilespmem:s5+$0x100]  }
0x21d: {  	v19 =	vld [tilespmem:s17+$0x180];
	v4 =	vadd.f32 v7, v4  }
0x21e: {  	v60 =	vld [tilespmem:s17+$0x200]  }
0x21f: {  	v5 =	vld [tilespmem:s2+$0x380];
	v4 =	vadd.f32 v9, v4  }
0x220: {  	v7 =	vld [tilespmem:s17+$0x100]  }
0x221: {  	v9 =	vld [tilespmem:s14+$0x180];
	v4 =	vadd.f32 v11, v4  }
0x222: {  	v6 =	vadd.f32 v8, v6;
	v8 =	vld [tilespmem:s14+$0x200]  }
0x223: {  	v10 =	vadd.f32 v12, v10;
	v11 =	vld [tilespmem:s5+$0x180];
	v4 =	vadd.f32 v13, v4  }
0x224: {  	v62 =	vld [tilespmem:s5+$0x200];
	v61 =	vadd.f32 v16, v14;
	v6 =	vadd.f32 v17, v6  }
0x225: {  	v63 =	vld [tilespmem:s14+$0x280];
	v7 =	vadd.f32 v7, v10;
	v15 =	vadd.f32 v15, v4  }
0x226: {  	v10 =	vadd.f32 v18, v61;
	v6 =	vadd.f32 v9, v6;
	v4 =	vld [tilespmem:s17+$0x280]  }
0x227: {  	s31 =	sshrl.u32 s1, $0x2;
	v7 =	vadd.f32 v19, v7;
	v9 =	vadd.f32 v5, v15;
	v5 =	vld [tilespmem:s5+$0x280]  }
0x228: {  	s10 =	simm.s32 $0x0;
	s24 =	sor.u32 $0x12000, s31;
	v10 =	vadd.f32 v11, v10;
	v8 =	vadd.f32 v8, v6;
	v6 =	vld [tilespmem:s14+$0x300]  }
0x229: {  	s11 =	simm.s32 $0x40;
	s12 =	simm.s32 $0x200;
	s30 =	sor.u32 s25, s24;
	v11 =	vadd.f32 v60, v7;
	v7 =	vld [tilespmem:s17+$0x300]  }
0x22a: {  	s13 =	sor.u32 s21, s24;
	s0 =	sor.u32 s22, s24;
	s16 =	sor.u32 s23, s24;
	v10 =	vadd.f32 v62, v10;
	[tilespmem:s30+$0x0] =	vst v9;
	v9 =	vadd.f32 v63, v8;
	v8 =	vld [tilespmem:s5+$0x300]  }
.LBB2_21:
0x22b: {  	s26 =	sand.u32 $0x40, s11;
	s6 =	sand.u32 $0x1C00, s12;
	v12 =	vld [tilespmem:s14+$0x380];
	v4 =	vadd.f32 v4, v11  }
0x22c: {  	s10 =	sadd.s32 $0x4, s10;
	s2 =	sadd.s32 $0x9000, s6;
	s31 =	sor.u32 $0x30, s26;
	v11 =	vld [tilespmem:s17+$0x380];
	v5 =	vadd.f32 v5, v10  }
0x22d: {  	s15 =	sor.u32 $0x10, s26;
	p2 =	slt.u32 s10, $0x3C;
	s7 =	sor.u32 s31, s2;
	v6 =	vadd.f32 v6, v9;
	v9 =	vld [tilespmem:s5+$0x380]  }
0x22e: {  	s3 =	sor.u32 $0x20, s26;
	s14 =	sor.u32 s26, s2;
	s17 =	sor.u32 s15, s2;
	v10 =	vld [tilespmem:s7+$0x0];
	v4 =	vadd.f32 v7, v4  }
0x22f: {  	s5 =	sor.u32 s3, s2;
	v7 =	vld [tilespmem:s7+$0x80];
	v5 =	vadd.f32 v8, v5  }
0x230: {  	v8 =	vld [tilespmem:s14+$0x0];
	v6 =	vadd.f32 v12, v6  }
0x231: {  	v12 =	vld [tilespmem:s7+$0x100];
	v4 =	vadd.f32 v11, v4  }
0x232: {  	v11 =	vld [tilespmem:s14+$0x80];
	[tilespmem:s13+$0x0] =	vst v6;
	v5 =	vadd.f32 v9, v5  }
0x233: {  	v6 =	vld [tilespmem:s7+$0x180];
	[tilespmem:s0+$0x0] =	vst v4  }
0x234: {  	v4 =	vld [tilespmem:s17+$0x0];
	v7 =	vadd.f32 v7, v10;
	[tilespmem:s16+$0x0] =	vst v5  }
0x235: {  	v5 =	vld [tilespmem:s7+$0x200]  }
0x236: {  	v9 =	vld [tilespmem:s17+$0x80];
	v7 =	vadd.f32 v12, v7  }
0x237: {  	v8 =	vadd.f32 v11, v8;
	v10 =	vld [tilespmem:s7+$0x280]  }
0x238: {  	v11 =	vld [tilespmem:s5+$0x0];
	v6 =	vadd.f32 v6, v7  }
0x239: {  	v7 =	vld [tilespmem:s7+$0x300]  }
0x23a: {  	v12 =	vld [tilespmem:s5+$0x80];
	v5 =	vadd.f32 v5, v6  }
0x23b: {  	v4 =	vadd.f32 v9, v4;
	v6 =	vld [tilespmem:s7+$0x380]  }
0x23c: {  	v9 =	vld [tilespmem:s14+$0x100];
	v5 =	vadd.f32 v10, v5  }
0x23d: {  	v10 =	vld [tilespmem:s17+$0x100]  }
0x23e: {  	v13 =	vld [tilespmem:s5+$0x100];
	v5 =	vadd.f32 v7, v5  }
0x23f: {  	s0 =	sshrl.u32 s6, $0x2;
	v7 =	vld [tilespmem:s14+$0x180];
	v11 =	vadd.f32 v12, v11  }
0x240: {  	s2 =	sor.u32 $0x12000, s0;
	v12 =	vld [tilespmem:s17+$0x180];
	v5 =	vadd.f32 v6, v5  }
0x241: {  	s13 =	sor.u32 s26, s2;
	s0 =	sor.u32 s15, s2;
	s6 =	sor.u32 s31, s2;
	v6 =	vadd.f32 v9, v8;
	v8 =	vld [tilespmem:s5+$0x180]  }
0x242: {  	s16 =	sor.u32 s3, s2;
	v9 =	vld [tilespmem:s14+$0x200];
	v4 =	vadd.f32 v10, v4;
	[tilespmem:s6+$0x0] =	vst v5  }
0x243: {  	v10 =	vld [tilespmem:s17+$0x200];
	v5 =	vadd.f32 v13, v11  }
0x244: {  	v6 =	vadd.f32 v7, v6;
	v13 =	vld [tilespmem:s5+$0x200]  }
0x245: {  	v14 =	vld [tilespmem:s14+$0x280];
	v7 =	vadd.f32 v12, v4  }
.Ltmp13:
0x246: {  	v4 =	vld [tilespmem:s17+$0x280];
	v8 =	vadd.f32 v8, v5;
	(pc) =	sbr.rel @p2 .LBB2_21-.Ltmp13, $4  }
0x247: {  	v9 =	vadd.f32 v9, v6;
	v5 =	vld [tilespmem:s5+$0x280]  }
0x248: {  	v6 =	vld [tilespmem:s14+$0x300];
	v11 =	vadd.f32 v10, v7  }
0x249: {  	v7 =	vld [tilespmem:s17+$0x300];
	v10 =	vadd.f32 v13, v8  }
0x24a: {  	s11 =	sadd.s32 $0x40, s11;
	s12 =	sadd.s32 $0x200, s12;
	v9 =	vadd.f32 v14, v9;
	v8 =	vld [tilespmem:s5+$0x300]  }
0x24b: {  	v12 =	vld [tilespmem:s14+$0x380]  }
0x24c: {  	v13 =	vld [tilespmem:s17+$0x380]  }
0x24d: {  	v4 =	vadd.f32 v4, v11;
	v11 =	vld [tilespmem:s5+$0x380]  }
0x24e: {  	v5 =	vadd.f32 v5, v10;
	v6 =	vadd.f32 v6, v9  }
0x24f: {  	v4 =	vadd.f32 v7, v4  }
0x250: {  	v5 =	vadd.f32 v8, v5;
	v6 =	vadd.f32 v12, v6  }
0x251: {  	v4 =	vadd.f32 v13, v4  }
0x252: {  	v5 =	vadd.f32 v11, v5;
	[tilespmem:s13+$0x0] =	vst v6  }
0x253: {  	[tilespmem:s0+$0x0] =	vst v4;
	s13 =	sadd.s32 $0xB000, s1  }
0x254: {  	s2 =	sadd.s32 $0xB080, s1;
	[tilespmem:s16+$0x0] =	vst v5;
	s3 =	sor.u32 s25, s13  }
0x255: {  	s14 =	sor.u32 s25, s2;
	v4 =	vld [tilespmem:s3+$0x0]  }
0x256: {  	s6 =	sadd.s32 $0xB100, s1;
	s15 =	sor.u32 s21, s13;
	v5 =	vld [tilespmem:s14+$0x0]  }
0x257: {  	s16 =	sor.u32 s25, s6;
	v6 =	vld [tilespmem:s15+$0x0]  }
0x258: {  	s7 =	sadd.s32 $0xB180, s1;
	s17 =	sor.u32 s21, s2;
	v7 =	vld [tilespmem:s16+$0x0]  }
0x259: {  	s19 =	sor.u32 s25, s7;
	v8 =	vld [tilespmem:s17+$0x0]  }
0x25a: {  	s8 =	sadd.s32 $0xB200, s1;
	s20 =	sor.u32 s22, s13;
	v9 =	vld [tilespmem:s19+$0x0]  }
0x25b: {  	s26 =	sor.u32 s25, s8;
	v10 =	vld [tilespmem:s20+$0x0]  }
0x25c: {  	s9 =	sadd.s32 $0xB280, s1;
	s28 =	sor.u32 s22, s2;
	v11 =	vld [tilespmem:s26+$0x0]  }
0x25d: {  	s29 =	sor.u32 s25, s9;
	v58 =	vld [tilespmem:s28+$0x0]  }
0x25e: {  	s5 =	sadd.s32 $0xB300, s1;
	s0 =	sor.u32 s23, s13;
	v59 =	vld [tilespmem:s29+$0x0]  }
0x25f: {  	s31 =	sor.u32 s25, s5;
	v14 =	vld [tilespmem:s0+$0x0]  }
0x260: {  	s2 =	sor.u32 s23, s2;
	v15 =	vld [tilespmem:s31+$0x0]  }
0x261: {  	s10 =	sor.u32 s21, s6;
	v16 =	vld [tilespmem:s2+$0x0]  }
0x262: {  	s12 =	sor.u32 s23, s6;
	v17 =	vld [tilespmem:s10+$0x0];
	v4 =	vadd.f32 v5, v4  }
0x263: {  	v18 =	vld [tilespmem:s12+$0x0];
	s14 =	sor.u32 s22, s7  }
0x264: {  	s3 =	sadd.s32 $0xB380, s1;
	s17 =	sor.u32 s22, s8;
	v19 =	vld [tilespmem:s14+$0x0];
	v4 =	vadd.f32 v7, v4  }
0x265: {  	s2 =	sor.u32 s25, s3;
	v60 =	vld [tilespmem:s17+$0x0]  }
0x266: {  	s11 =	sor.u32 s22, s6;
	v5 =	vld [tilespmem:s2+$0x0];
	v4 =	vadd.f32 v9, v4  }
0x267: {  	s13 =	sor.u32 s21, s7;
	v7 =	vld [tilespmem:s11+$0x0]  }
0x268: {  	s16 =	sor.u32 s21, s8;
	v9 =	vld [tilespmem:s13+$0x0];
	v4 =	vadd.f32 v11, v4  }
0x269: {  	s15 =	sor.u32 s23, s7;
	v6 =	vadd.f32 v8, v6;
	v8 =	vld [tilespmem:s16+$0x0]  }
0x26a: {  	s19 =	sor.u32 s23, s8;
	v10 =	vadd.f32 v58, v10;
	v11 =	vld [tilespmem:s15+$0x0];
	v4 =	vadd.f32 v59, v4  }
0x26b: {  	s20 =	sor.u32 s21, s9;
	v62 =	vld [tilespmem:s19+$0x0];
	v61 =	vadd.f32 v16, v14;
	v6 =	vadd.f32 v17, v6  }
0x26c: {  	s25 =	sor.u32 s22, s9;
	v63 =	vld [tilespmem:s20+$0x0];
	v7 =	vadd.f32 v7, v10;
	v15 =	vadd.f32 v15, v4  }
0x26d: {  	s26 =	sor.u32 s23, s9;
	v10 =	vadd.f32 v18, v61;
	v6 =	vadd.f32 v9, v6;
	v4 =	vld [tilespmem:s25+$0x0]  }
0x26e: {  	s1 =	simm.s32 $0x0;
	s28 =	sor.u32 s21, s5;
	s29 =	sor.u32 s22, s5;
	v7 =	vadd.f32 v19, v7;
	v9 =	vadd.f32 v5, v15;
	v5 =	vld [tilespmem:s26+$0x0]  }
0x26f: {  	s31 =	sor.u32 s23, s5;
	s5 =	simm.s32 $0x40;
	s17 =	sor.u32 s23, s24;
	v10 =	vadd.f32 v11, v10;
	v8 =	vadd.f32 v8, v6;
	v6 =	vld [tilespmem:s28+$0x0]  }
0x270: {  	s14 =	simm.s32 $0x200;
	s16 =	sor.u32 s23, s3;
	s11 =	sor.u32 s22, s24;
	v11 =	vadd.f32 v60, v7;
	v7 =	vld [tilespmem:s29+$0x0]  }
0x271: {  	s13 =	sor.u32 s22, s3;
	s25 =	sor.u32 s21, s24;
	s26 =	sor.u32 s21, s3;
	v10 =	vadd.f32 v62, v10;
	[tilespmem:s30+$0x80] =	vst v9;
	v9 =	vadd.f32 v63, v8;
	v8 =	vld [tilespmem:s31+$0x0]  }
.LBB2_23:
0x272: {  	s10 =	sand.u32 $0x40, s5;
	s21 =	sand.u32 $0x1C00, s14;
	v12 =	vld [tilespmem:s26+$0x0];
	v4 =	vadd.f32 v4, v11  }
0x273: {  	s1 =	sadd.s32 $0x4, s1;
	s2 =	sadd.s32 $0xB000, s21;
	s12 =	sor.u32 $0x30, s10;
	v11 =	vld [tilespmem:s13+$0x0];
	v5 =	vadd.f32 v5, v10  }
0x274: {  	s3 =	sadd.s32 $0xB080, s21;
	p2 =	slt.u32 s1, $0x3C;
	s6 =	sor.u32 s12, s2;
	v6 =	vadd.f32 v6, v9;
	v9 =	vld [tilespmem:s16+$0x0]  }
0x275: {  	s0 =	sor.u32 $0x10, s10;
	s22 =	sor.u32 $0x20, s10;
	v10 =	vld [tilespmem:s6+$0x0];
	s6 =	sor.u32 s12, s3;
	v4 =	vadd.f32 v7, v4  }
0x276: {  	s9 =	sadd.s32 $0xB100, s21;
	s7 =	sor.u32 s10, s2;
	s8 =	sor.u32 s10, s3;
	v7 =	vld [tilespmem:s6+$0x0];
	v5 =	vadd.f32 v8, v5  }
0x277: {  	s13 =	sor.u32 s12, s9;
	s6 =	sor.u32 s0, s2;
	v8 =	vld [tilespmem:s7+$0x0];
	s7 =	sor.u32 s0, s3;
	v6 =	vadd.f32 v12, v6  }
0x278: {  	s15 =	sadd.s32 $0xB180, s21;
	s16 =	sor.u32 s22, s3;
	s2 =	sor.u32 s22, s2;
	v12 =	vld [tilespmem:s13+$0x0];
	v4 =	vadd.f32 v11, v4  }
0x279: {  	s19 =	sor.u32 s0, s9;
	s3 =	sor.u32 s12, s15;
	v11 =	vld [tilespmem:s8+$0x0];
	s8 =	sor.u32 s10, s9;
	[tilespmem:s25+$0x80] =	vst v6;
	v5 =	vadd.f32 v9, v5  }
0x27a: {  	s20 =	sor.u32 s10, s15;
	s13 =	sadd.s32 $0xB200, s21;
	s9 =	sor.u32 s22, s9;
	v6 =	vld [tilespmem:s3+$0x0];
	[tilespmem:s11+$0x80] =	vst v4  }
0x27b: {  	s23 =	sor.u32 s22, s15;
	s11 =	sor.u32 s0, s15;
	s3 =	sor.u32 s12, s13;
	v4 =	vld [tilespmem:s6+$0x0];
	v7 =	vadd.f32 v7, v10;
	[tilespmem:s17+$0x80] =	vst v5  }
0x27c: {  	s24 =	sor.u32 s0, s13;
	s17 =	sor.u32 s10, s13;
	s6 =	sadd.s32 $0xB280, s21;
	v5 =	vld [tilespmem:s3+$0x0]  }
0x27d: {  	s3 =	sor.u32 s10, s6;
	v9 =	vld [tilespmem:s7+$0x0];
	s7 =	sor.u32 s22, s13;
	v7 =	vadd.f32 v12, v7;
	s13 =	sor.u32 s12, s6  }
0x27e: {  	s25 =	sadd.s32 $0xB300, s21;
	s28 =	sor.u32 s0, s6;
	s15 =	sor.u32 s22, s6;
	v8 =	vadd.f32 v11, v8;
	v10 =	vld [tilespmem:s13+$0x0]  }
0x27f: {  	s29 =	sor.u32 s10, s25;
	s6 =	sor.u32 s0, s25;
	v11 =	vld [tilespmem:s2+$0x0];
	v6 =	vadd.f32 v6, v7;
	s2 =	sor.u32 s12, s25  }
0x280: {  	s30 =	sadd.s32 $0xB380, s21;
	s31 =	sor.u32 s22, s25;
	v7 =	vld [tilespmem:s2+$0x0]  }
0x281: {  	s26 =	sor.u32 s10, s30;
	s13 =	sor.u32 s0, s30;
	s2 =	sor.u32 s12, s30;
	v12 =	vld [tilespmem:s16+$0x0];
	v5 =	vadd.f32 v5, v6  }
0x282: {  	s16 =	sor.u32 s22, s30;
	v4 =	vadd.f32 v9, v4;
	v6 =	vld [tilespmem:s2+$0x0]  }
0x283: {  	v9 =	vld [tilespmem:s8+$0x0];
	v5 =	vadd.f32 v10, v5  }
0x284: {  	v10 =	vld [tilespmem:s19+$0x0]  }
0x285: {  	v13 =	vld [tilespmem:s9+$0x0];
	v5 =	vadd.f32 v7, v5  }
0x286: {  	s2 =	sshrl.u32 s21, $0x2;
	v7 =	vld [tilespmem:s20+$0x0];
	v11 =	vadd.f32 v12, v11  }
0x287: {  	s2 =	sor.u32 $0x12000, s2;
	v12 =	vld [tilespmem:s11+$0x0];
	v5 =	vadd.f32 v6, v5  }
0x288: {  	s25 =	sor.u32 s10, s2;
	s11 =	sor.u32 s0, s2;
	s0 =	sor.u32 s12, s2;
	v6 =	vadd.f32 v9, v8;
	v8 =	vld [tilespmem:s23+$0x0]  }
0x289: {  	v9 =	vld [tilespmem:s17+$0x0];
	v4 =	vadd.f32 v10, v4;
	s17 =	sor.u32 s22, s2;
	[tilespmem:s0+$0x80] =	vst v5  }
0x28a: {  	v10 =	vld [tilespmem:s24+$0x0];
	v5 =	vadd.f32 v13, v11  }
0x28b: {  	v6 =	vadd.f32 v7, v6;
	v13 =	vld [tilespmem:s7+$0x0]  }
0x28c: {  	v14 =	vld [tilespmem:s3+$0x0];
	v7 =	vadd.f32 v12, v4  }
.Ltmp14:
0x28d: {  	v4 =	vld [tilespmem:s28+$0x0];
	v8 =	vadd.f32 v8, v5;
	(pc) =	sbr.rel @p2 .LBB2_23-.Ltmp14, $4  }
0x28e: {  	v9 =	vadd.f32 v9, v6;
	v5 =	vld [tilespmem:s15+$0x0]  }
0x28f: {  	v6 =	vld [tilespmem:s29+$0x0];
	v11 =	vadd.f32 v10, v7  }
0x290: {  	v7 =	vld [tilespmem:s6+$0x0];
	v10 =	vadd.f32 v13, v8  }
0x291: {  	s5 =	sadd.s32 $0x40, s5;
	s14 =	sadd.s32 $0x200, s14;
	v9 =	vadd.f32 v14, v9;
	v8 =	vld [tilespmem:s31+$0x0]  }
0x292: {  	v12 =	vld [tilespmem:s26+$0x0]  }
0x293: {  	v13 =	vld [tilespmem:s13+$0x0]  }
0x294: {  	v4 =	vadd.f32 v4, v11;
	v63 =	vld [tilespmem:s16+$0x0]  }
0x295: {  	v5 =	vadd.f32 v5, v10;
	v6 =	vadd.f32 v6, v9  }
0x296: {  	v4 =	vadd.f32 v7, v4  }
0x297: {  	v5 =	vadd.f32 v8, v5;
	v6 =	vadd.f32 v12, v6  }
0x298: {  	v4 =	vadd.f32 v13, v4  }
0x299: {  	v5 =	vadd.f32 v63, v5;
	[tilespmem:s25+$0x80] =	vst v6  }
0x29a: {  	[tilespmem:s11+$0x80] =	vst v4  }
.Ltmp15:
0x29b: {  	[tilespmem:s17+$0x80] =	vst v5;
	(pc) =	sbr.rel @p1 .LBB2_26-.Ltmp15, $4  }
0x29c: {  	s0 =	rddreg [dreg:$0xa]  }
0x29d: {  	s31 =	simm.s32 $0x100;
	s1 =	rddreg [dreg:$0xf]  }
0x29e: {  	s2 =	simm.s32 $0x400;
	s3 =	simm.s32 $0x12000;
	s0 =	sadd.s32 s1, s0  }
0x29f: {  	[hbm4b:s0+s31] =	stream.strided.scatter [tilespmem:s3], [sflag:$0x7], $0x800, s2, s31, $0x38;
	[tilespmem:$0x13000] =	vst v63  }
.Ltmp16:
0x2a0: {  	(pc) =	sbr.rel .LBB2_27-.Ltmp16, $4  }
0x2a1: {  	s0 =	simm.s32 $0x4  }
0x2a2: {  	_ =	swait.ge [sflag:s0], $0x4000  }
0x2a3: {  	[sflag:s0] =	ssyncset.done $0x0  }
0x2a4: {  	[sflag:s0] =	ssyncadd.s32 $0xFFFFC000  }
.LBB2_26:
0x2a5: {  	s0 =	rddreg [dreg:$0xe]  }
0x2a6: {  	s0 =	sshrl.u32 s0, $0x2  }
0x2a7: {  	v4 =	vld [tilespmem:s0+$0x60];
	_ =	sdelay $0x4  }
0x2a8: {  	v5 =	vshll.u32 v4, $0x3  }
0x2a9: {  	v4 =	vand.u32 $0x7, v4;
	v5 =	vand.u32 $0xFFFFFFC0, v5  }
0x2aa: {  	v4 =	vor.u32 v4, v5  }
0x2ab: {  	v5 =	vperm.xlane v4, v0;
	_ =	sdelay $0x1  }
0x2ac: {  	v5 =	vadd.s32 v2, v5;
	_ =	sdelay $0x3  }
0x2ad: {  	s22 =	rddreg [dreg:$0x0];
	s1 =	simm.s32 $0x9000  }
0x2ae: {  	[tilespmem:s1], [sflag:$0x3] =	stream.indirect_vreg.gather [hbm4b:s22+s4], $0x80, v5, vm0, $0xb8;
	[tilespmem:$0x13000] =	vst v63  }
0x2af: {  	s23 =	rddreg [dreg:$0x6];
	s2 =	simm.s32 $0x9800;
	v4 =	vperm.xlane v4, v3  }
0x2b0: {  	[tilespmem:s2], [sflag:$0x3] =	stream.indirect_vreg.gather [hbm4b:s23+s4], $0x80, v5, vm0, $0xb8;
	[tilespmem:$0x13000] =	vst v63  }
0x2b1: {  	s24 =	rddreg [dreg:$0x7];
	s3 =	simm.s32 $0xA000;
	v4 =	vadd.s32 v2, v4  }
0x2b2: {  	[tilespmem:s3], [sflag:$0x3] =	stream.indirect_vreg.gather [hbm4b:s24+s4], $0x80, v5, vm0, $0xb8;
	[tilespmem:$0x13000] =	vst v63  }
0x2b3: {  	s25 =	rddreg [dreg:$0x8];
	s5 =	simm.s32 $0xA800  }
0x2b4: {  	[tilespmem:s5], [sflag:$0x3] =	stream.indirect_vreg.gather [hbm4b:s25+s4], $0x80, v5, vm0, $0xb8;
	[tilespmem:$0x13000] =	vst v63  }
0x2b5: {  	s26 =	simm.s32 $0xB000  }
0x2b6: {  	[tilespmem:s26], [sflag:$0x3] =	stream.indirect_vreg.gather [hbm4b:s22+s4], $0x80, v4, vm0, $0xb8;
	[tilespmem:$0x13000] =	vst v63  }
0x2b7: {  	s28 =	simm.s32 $0xB800  }
0x2b8: {  	[tilespmem:s28], [sflag:$0x3] =	stream.indirect_vreg.gather [hbm4b:s23+s4], $0x80, v4, vm0, $0xb8;
	[tilespmem:$0x13000] =	vst v63  }
0x2b9: {  	s29 =	simm.s32 $0xC000  }
0x2ba: {  	[tilespmem:s29], [sflag:$0x3] =	stream.indirect_vreg.gather [hbm4b:s24+s4], $0x80, v4, vm0, $0xb8;
	[tilespmem:$0x13000] =	vst v63  }
.Ltmp17:
0x2bb: {  	s30 =	simm.s32 $0xC800;
	s31 =	simm.s32 $0x4;
	(pc) =	sbr.rel @p0 .LBB2_28-.Ltmp17, $4  }
0x2bc: {  	[tilespmem:s30], [sflag:$0x3] =	stream.indirect_vreg.gather [hbm4b:s25+s4], $0x80, v4, vm0, $0xb8;
	[tilespmem:$0x13000] =	vst v63  }
0x2bd: {  	_ =	swait.ge [sflag:s31], $0x4000  }
0x2be: {  	[sflag:s31] =	ssyncset.done $0x0  }
0x2bf: {  	[sflag:s31] =	ssyncadd.s32 $0xFFFFC000  }
.LBB2_27:
0x2c0: {  	s0 =	simm.s32 $0x8  }
0x2c1: {  	_ =	swait.ge [sflag:s0], $0x800  }
0x2c2: {  	[sflag:s0] =	ssyncset.done $0x0  }
0x2c3: {  	[sflag:s0] =	ssyncadd.s32 $0xFFFFF800  }
.LBB2_28:
0x2c4: {  	s0 =	simm.s32 $0x0  }
0x2c5: {  	s21 =	sand.u32 $0x40, s0;
	s1 =	sand.u32 $0x1C00, s0  }
0x2c6: {  	s0 =	sadd.s32 $0xD000, s1;
	s25 =	sor.u32 $0x30, s21  }
0x2c7: {  	s2 =	sor.u32 s25, s0  }
0x2c8: {  	v4 =	vld [tilespmem:s2+$0x0]  }
0x2c9: {  	s14 =	sor.u32 s21, s0;
	v5 =	vld [tilespmem:s2+$0x80]  }
0x2ca: {  	v6 =	vld [tilespmem:s14+$0x0]  }
0x2cb: {  	v7 =	vld [tilespmem:s2+$0x100]  }
0x2cc: {  	s22 =	sor.u32 $0x10, s21;
	v8 =	vld [tilespmem:s14+$0x80]  }
0x2cd: {  	s17 =	sor.u32 s22, s0;
	v9 =	vld [tilespmem:s2+$0x180]  }
0x2ce: {  	v10 =	vld [tilespmem:s17+$0x0]  }
0x2cf: {  	v11 =	vld [tilespmem:s2+$0x200]  }
0x2d0: {  	s23 =	sor.u32 $0x20, s21;
	v12 =	vld [tilespmem:s17+$0x80]  }
0x2d1: {  	s5 =	sor.u32 s23, s0;
	v13 =	vld [tilespmem:s2+$0x280]  }
0x2d2: {  	v14 =	vld [tilespmem:s5+$0x0]  }
0x2d3: {  	v15 =	vld [tilespmem:s2+$0x300]  }
0x2d4: {  	v16 =	vld [tilespmem:s5+$0x80]  }
0x2d5: {  	v17 =	vld [tilespmem:s14+$0x100];
	v4 =	vadd.f32 v5, v4  }
0x2d6: {  	v18 =	vld [tilespmem:s5+$0x100]  }
0x2d7: {  	v19 =	vld [tilespmem:s17+$0x180];
	v4 =	vadd.f32 v7, v4  }
0x2d8: {  	v60 =	vld [tilespmem:s17+$0x200]  }
0x2d9: {  	v5 =	vld [tilespmem:s2+$0x380];
	v4 =	vadd.f32 v9, v4  }
0x2da: {  	v7 =	vld [tilespmem:s17+$0x100]  }
0x2db: {  	v9 =	vld [tilespmem:s14+$0x180];
	v4 =	vadd.f32 v11, v4  }
0x2dc: {  	v6 =	vadd.f32 v8, v6;
	v8 =	vld [tilespmem:s14+$0x200]  }
0x2dd: {  	v10 =	vadd.f32 v12, v10;
	v11 =	vld [tilespmem:s5+$0x180];
	v4 =	vadd.f32 v13, v4  }
0x2de: {  	v62 =	vld [tilespmem:s5+$0x200];
	v61 =	vadd.f32 v16, v14;
	v6 =	vadd.f32 v17, v6  }
0x2df: {  	v63 =	vld [tilespmem:s14+$0x280];
	v7 =	vadd.f32 v7, v10;
	v15 =	vadd.f32 v15, v4  }
0x2e0: {  	v10 =	vadd.f32 v18, v61;
	v6 =	vadd.f32 v9, v6;
	v4 =	vld [tilespmem:s17+$0x280]  }
0x2e1: {  	s31 =	sshrl.u32 s1, $0x2;
	v7 =	vadd.f32 v19, v7;
	v9 =	vadd.f32 v5, v15;
	v5 =	vld [tilespmem:s5+$0x280]  }
0x2e2: {  	s10 =	simm.s32 $0x0;
	s24 =	sor.u32 $0x12800, s31;
	v10 =	vadd.f32 v11, v10;
	v8 =	vadd.f32 v8, v6;
	v6 =	vld [tilespmem:s14+$0x300]  }
0x2e3: {  	s11 =	simm.s32 $0x40;
	s12 =	simm.s32 $0x200;
	s30 =	sor.u32 s25, s24;
	v11 =	vadd.f32 v60, v7;
	v7 =	vld [tilespmem:s17+$0x300]  }
0x2e4: {  	s13 =	sor.u32 s21, s24;
	s0 =	sor.u32 s22, s24;
	s16 =	sor.u32 s23, s24;
	v10 =	vadd.f32 v62, v10;
	[tilespmem:s30+$0x0] =	vst v9;
	v9 =	vadd.f32 v63, v8;
	v8 =	vld [tilespmem:s5+$0x300]  }
.LBB2_29:
0x2e5: {  	s26 =	sand.u32 $0x40, s11;
	s6 =	sand.u32 $0x1C00, s12;
	v12 =	vld [tilespmem:s14+$0x380];
	v4 =	vadd.f32 v4, v11  }
0x2e6: {  	s10 =	sadd.s32 $0x4, s10;
	s2 =	sadd.s32 $0xD000, s6;
	s31 =	sor.u32 $0x30, s26;
	v11 =	vld [tilespmem:s17+$0x380];
	v5 =	vadd.f32 v5, v10  }
0x2e7: {  	s15 =	sor.u32 $0x10, s26;
	p0 =	slt.u32 s10, $0x3C;
	s7 =	sor.u32 s31, s2;
	v6 =	vadd.f32 v6, v9;
	v9 =	vld [tilespmem:s5+$0x380]  }
0x2e8: {  	s3 =	sor.u32 $0x20, s26;
	s14 =	sor.u32 s26, s2;
	s17 =	sor.u32 s15, s2;
	v10 =	vld [tilespmem:s7+$0x0];
	v4 =	vadd.f32 v7, v4  }
0x2e9: {  	s5 =	sor.u32 s3, s2;
	v7 =	vld [tilespmem:s7+$0x80];
	v5 =	vadd.f32 v8, v5  }
0x2ea: {  	v8 =	vld [tilespmem:s14+$0x0];
	v6 =	vadd.f32 v12, v6  }
0x2eb: {  	v12 =	vld [tilespmem:s7+$0x100];
	v4 =	vadd.f32 v11, v4  }
0x2ec: {  	v11 =	vld [tilespmem:s14+$0x80];
	[tilespmem:s13+$0x0] =	vst v6;
	v5 =	vadd.f32 v9, v5  }
0x2ed: {  	v6 =	vld [tilespmem:s7+$0x180];
	[tilespmem:s0+$0x0] =	vst v4  }
0x2ee: {  	v4 =	vld [tilespmem:s17+$0x0];
	v7 =	vadd.f32 v7, v10;
	[tilespmem:s16+$0x0] =	vst v5  }
0x2ef: {  	v5 =	vld [tilespmem:s7+$0x200]  }
0x2f0: {  	v9 =	vld [tilespmem:s17+$0x80];
	v7 =	vadd.f32 v12, v7  }
0x2f1: {  	v8 =	vadd.f32 v11, v8;
	v10 =	vld [tilespmem:s7+$0x280]  }
0x2f2: {  	v11 =	vld [tilespmem:s5+$0x0];
	v6 =	vadd.f32 v6, v7  }
0x2f3: {  	v7 =	vld [tilespmem:s7+$0x300]  }
0x2f4: {  	v12 =	vld [tilespmem:s5+$0x80];
	v5 =	vadd.f32 v5, v6  }
0x2f5: {  	v4 =	vadd.f32 v9, v4;
	v6 =	vld [tilespmem:s7+$0x380]  }
0x2f6: {  	v9 =	vld [tilespmem:s14+$0x100];
	v5 =	vadd.f32 v10, v5  }
0x2f7: {  	v10 =	vld [tilespmem:s17+$0x100]  }
0x2f8: {  	v13 =	vld [tilespmem:s5+$0x100];
	v5 =	vadd.f32 v7, v5  }
0x2f9: {  	s0 =	sshrl.u32 s6, $0x2;
	v7 =	vld [tilespmem:s14+$0x180];
	v11 =	vadd.f32 v12, v11  }
0x2fa: {  	s2 =	sor.u32 $0x12800, s0;
	v12 =	vld [tilespmem:s17+$0x180];
	v5 =	vadd.f32 v6, v5  }
0x2fb: {  	s13 =	sor.u32 s26, s2;
	s0 =	sor.u32 s15, s2;
	s6 =	sor.u32 s31, s2;
	v6 =	vadd.f32 v9, v8;
	v8 =	vld [tilespmem:s5+$0x180]  }
0x2fc: {  	s16 =	sor.u32 s3, s2;
	v9 =	vld [tilespmem:s14+$0x200];
	v4 =	vadd.f32 v10, v4;
	[tilespmem:s6+$0x0] =	vst v5  }
0x2fd: {  	v10 =	vld [tilespmem:s17+$0x200];
	v5 =	vadd.f32 v13, v11  }
0x2fe: {  	v6 =	vadd.f32 v7, v6;
	v13 =	vld [tilespmem:s5+$0x200]  }
0x2ff: {  	v14 =	vld [tilespmem:s14+$0x280];
	v7 =	vadd.f32 v12, v4  }
.Ltmp18:
0x300: {  	v4 =	vld [tilespmem:s17+$0x280];
	v8 =	vadd.f32 v8, v5;
	(pc) =	sbr.rel @p0 .LBB2_29-.Ltmp18, $4  }
0x301: {  	v9 =	vadd.f32 v9, v6;
	v5 =	vld [tilespmem:s5+$0x280]  }
0x302: {  	v6 =	vld [tilespmem:s14+$0x300];
	v11 =	vadd.f32 v10, v7  }
0x303: {  	v7 =	vld [tilespmem:s17+$0x300];
	v10 =	vadd.f32 v13, v8  }
0x304: {  	s11 =	sadd.s32 $0x40, s11;
	s12 =	sadd.s32 $0x200, s12;
	v9 =	vadd.f32 v14, v9;
	v8 =	vld [tilespmem:s5+$0x300]  }
0x305: {  	v12 =	vld [tilespmem:s14+$0x380]  }
0x306: {  	v13 =	vld [tilespmem:s17+$0x380]  }
0x307: {  	v4 =	vadd.f32 v4, v11;
	v11 =	vld [tilespmem:s5+$0x380]  }
0x308: {  	v5 =	vadd.f32 v5, v10;
	v6 =	vadd.f32 v6, v9  }
0x309: {  	v4 =	vadd.f32 v7, v4  }
0x30a: {  	v5 =	vadd.f32 v8, v5;
	v6 =	vadd.f32 v12, v6  }
0x30b: {  	v4 =	vadd.f32 v13, v4  }
0x30c: {  	v5 =	vadd.f32 v11, v5;
	[tilespmem:s13+$0x0] =	vst v6  }
0x30d: {  	[tilespmem:s0+$0x0] =	vst v4;
	s13 =	sadd.s32 $0xF000, s1  }
0x30e: {  	s2 =	sadd.s32 $0xF080, s1;
	[tilespmem:s16+$0x0] =	vst v5;
	s3 =	sor.u32 s25, s13  }
0x30f: {  	s14 =	sor.u32 s25, s2;
	v4 =	vld [tilespmem:s3+$0x0]  }
0x310: {  	s6 =	sadd.s32 $0xF100, s1;
	s15 =	sor.u32 s21, s13;
	v5 =	vld [tilespmem:s14+$0x0]  }
0x311: {  	s16 =	sor.u32 s25, s6;
	v6 =	vld [tilespmem:s15+$0x0]  }
0x312: {  	s7 =	sadd.s32 $0xF180, s1;
	s17 =	sor.u32 s21, s2;
	v7 =	vld [tilespmem:s16+$0x0]  }
0x313: {  	s19 =	sor.u32 s25, s7;
	v8 =	vld [tilespmem:s17+$0x0]  }
0x314: {  	s8 =	sadd.s32 $0xF200, s1;
	s20 =	sor.u32 s22, s13;
	v9 =	vld [tilespmem:s19+$0x0]  }
0x315: {  	s26 =	sor.u32 s25, s8;
	v10 =	vld [tilespmem:s20+$0x0]  }
0x316: {  	s9 =	sadd.s32 $0xF280, s1;
	s28 =	sor.u32 s22, s2;
	v11 =	vld [tilespmem:s26+$0x0]  }
0x317: {  	s29 =	sor.u32 s25, s9;
	v58 =	vld [tilespmem:s28+$0x0]  }
0x318: {  	s5 =	sadd.s32 $0xF300, s1;
	s0 =	sor.u32 s23, s13;
	v59 =	vld [tilespmem:s29+$0x0]  }
0x319: {  	s31 =	sor.u32 s25, s5;
	v14 =	vld [tilespmem:s0+$0x0]  }
0x31a: {  	s2 =	sor.u32 s23, s2;
	v15 =	vld [tilespmem:s31+$0x0]  }
0x31b: {  	s10 =	sor.u32 s21, s6;
	v16 =	vld [tilespmem:s2+$0x0]  }
0x31c: {  	s12 =	sor.u32 s23, s6;
	v17 =	vld [tilespmem:s10+$0x0];
	v4 =	vadd.f32 v5, v4  }
0x31d: {  	v18 =	vld [tilespmem:s12+$0x0];
	s14 =	sor.u32 s22, s7  }
0x31e: {  	s3 =	sadd.s32 $0xF380, s1;
	s17 =	sor.u32 s22, s8;
	v19 =	vld [tilespmem:s14+$0x0];
	v4 =	vadd.f32 v7, v4  }
0x31f: {  	s2 =	sor.u32 s25, s3;
	v60 =	vld [tilespmem:s17+$0x0]  }
0x320: {  	s11 =	sor.u32 s22, s6;
	v5 =	vld [tilespmem:s2+$0x0];
	v4 =	vadd.f32 v9, v4  }
0x321: {  	s13 =	sor.u32 s21, s7;
	v7 =	vld [tilespmem:s11+$0x0]  }
0x322: {  	s16 =	sor.u32 s21, s8;
	v9 =	vld [tilespmem:s13+$0x0];
	v4 =	vadd.f32 v11, v4  }
0x323: {  	s15 =	sor.u32 s23, s7;
	v6 =	vadd.f32 v8, v6;
	v8 =	vld [tilespmem:s16+$0x0]  }
0x324: {  	s19 =	sor.u32 s23, s8;
	v10 =	vadd.f32 v58, v10;
	v11 =	vld [tilespmem:s15+$0x0];
	v4 =	vadd.f32 v59, v4  }
0x325: {  	s20 =	sor.u32 s21, s9;
	v62 =	vld [tilespmem:s19+$0x0];
	v61 =	vadd.f32 v16, v14;
	v6 =	vadd.f32 v17, v6  }
0x326: {  	s25 =	sor.u32 s22, s9;
	v63 =	vld [tilespmem:s20+$0x0];
	v7 =	vadd.f32 v7, v10;
	v15 =	vadd.f32 v15, v4  }
0x327: {  	s26 =	sor.u32 s23, s9;
	v10 =	vadd.f32 v18, v61;
	v6 =	vadd.f32 v9, v6;
	v4 =	vld [tilespmem:s25+$0x0]  }
0x328: {  	s1 =	simm.s32 $0x0;
	s28 =	sor.u32 s21, s5;
	s29 =	sor.u32 s22, s5;
	v7 =	vadd.f32 v19, v7;
	v9 =	vadd.f32 v5, v15;
	v5 =	vld [tilespmem:s26+$0x0]  }
0x329: {  	s31 =	sor.u32 s23, s5;
	s5 =	simm.s32 $0x40;
	s17 =	sor.u32 s23, s24;
	v10 =	vadd.f32 v11, v10;
	v8 =	vadd.f32 v8, v6;
	v6 =	vld [tilespmem:s28+$0x0]  }
0x32a: {  	s14 =	simm.s32 $0x200;
	s16 =	sor.u32 s23, s3;
	s11 =	sor.u32 s22, s24;
	v11 =	vadd.f32 v60, v7;
	v7 =	vld [tilespmem:s29+$0x0]  }
0x32b: {  	s13 =	sor.u32 s22, s3;
	s25 =	sor.u32 s21, s24;
	s26 =	sor.u32 s21, s3;
	v10 =	vadd.f32 v62, v10;
	[tilespmem:s30+$0x80] =	vst v9;
	v9 =	vadd.f32 v63, v8;
	v8 =	vld [tilespmem:s31+$0x0]  }
.LBB2_31:
0x32c: {  	s10 =	sand.u32 $0x40, s5;
	s21 =	sand.u32 $0x1C00, s14;
	v12 =	vld [tilespmem:s26+$0x0];
	v4 =	vadd.f32 v4, v11  }
0x32d: {  	s1 =	sadd.s32 $0x4, s1;
	s2 =	sadd.s32 $0xF000, s21;
	s12 =	sor.u32 $0x30, s10;
	v11 =	vld [tilespmem:s13+$0x0];
	v5 =	vadd.f32 v5, v10  }
0x32e: {  	s3 =	sadd.s32 $0xF080, s21;
	p0 =	slt.u32 s1, $0x3C;
	s6 =	sor.u32 s12, s2;
	v6 =	vadd.f32 v6, v9;
	v9 =	vld [tilespmem:s16+$0x0]  }
0x32f: {  	s0 =	sor.u32 $0x10, s10;
	s22 =	sor.u32 $0x20, s10;
	v10 =	vld [tilespmem:s6+$0x0];
	s6 =	sor.u32 s12, s3;
	v4 =	vadd.f32 v7, v4  }
0x330: {  	s9 =	sadd.s32 $0xF100, s21;
	s7 =	sor.u32 s10, s2;
	s8 =	sor.u32 s10, s3;
	v7 =	vld [tilespmem:s6+$0x0];
	v5 =	vadd.f32 v8, v5  }
0x331: {  	s13 =	sor.u32 s12, s9;
	s6 =	sor.u32 s0, s2;
	v8 =	vld [tilespmem:s7+$0x0];
	s7 =	sor.u32 s0, s3;
	v6 =	vadd.f32 v12, v6  }
0x332: {  	s15 =	sadd.s32 $0xF180, s21;
	s16 =	sor.u32 s22, s3;
	s2 =	sor.u32 s22, s2;
	v12 =	vld [tilespmem:s13+$0x0];
	v4 =	vadd.f32 v11, v4  }
0x333: {  	s19 =	sor.u32 s0, s9;
	s3 =	sor.u32 s12, s15;
	v11 =	vld [tilespmem:s8+$0x0];
	s8 =	sor.u32 s10, s9;
	[tilespmem:s25+$0x80] =	vst v6;
	v5 =	vadd.f32 v9, v5  }
0x334: {  	s20 =	sor.u32 s10, s15;
	s13 =	sadd.s32 $0xF200, s21;
	s9 =	sor.u32 s22, s9;
	v6 =	vld [tilespmem:s3+$0x0];
	[tilespmem:s11+$0x80] =	vst v4  }
0x335: {  	s23 =	sor.u32 s22, s15;
	s11 =	sor.u32 s0, s15;
	s3 =	sor.u32 s12, s13;
	v4 =	vld [tilespmem:s6+$0x0];
	v7 =	vadd.f32 v7, v10;
	[tilespmem:s17+$0x80] =	vst v5  }
0x336: {  	s24 =	sor.u32 s0, s13;
	s17 =	sor.u32 s10, s13;
	s6 =	sadd.s32 $0xF280, s21;
	v5 =	vld [tilespmem:s3+$0x0]  }
0x337: {  	s3 =	sor.u32 s10, s6;
	v9 =	vld [tilespmem:s7+$0x0];
	s7 =	sor.u32 s22, s13;
	v7 =	vadd.f32 v12, v7;
	s13 =	sor.u32 s12, s6  }
0x338: {  	s25 =	sadd.s32 $0xF300, s21;
	s28 =	sor.u32 s0, s6;
	s15 =	sor.u32 s22, s6;
	v8 =	vadd.f32 v11, v8;
	v10 =	vld [tilespmem:s13+$0x0]  }
0x339: {  	s29 =	sor.u32 s10, s25;
	s6 =	sor.u32 s0, s25;
	v11 =	vld [tilespmem:s2+$0x0];
	v6 =	vadd.f32 v6, v7;
	s2 =	sor.u32 s12, s25  }
0x33a: {  	s30 =	sadd.s32 $0xF380, s21;
	s31 =	sor.u32 s22, s25;
	v7 =	vld [tilespmem:s2+$0x0]  }
0x33b: {  	s26 =	sor.u32 s10, s30;
	s13 =	sor.u32 s0, s30;
	s2 =	sor.u32 s12, s30;
	v12 =	vld [tilespmem:s16+$0x0];
	v5 =	vadd.f32 v5, v6  }
0x33c: {  	s16 =	sor.u32 s22, s30;
	v4 =	vadd.f32 v9, v4;
	v6 =	vld [tilespmem:s2+$0x0]  }
0x33d: {  	v9 =	vld [tilespmem:s8+$0x0];
	v5 =	vadd.f32 v10, v5  }
0x33e: {  	v10 =	vld [tilespmem:s19+$0x0]  }
0x33f: {  	v13 =	vld [tilespmem:s9+$0x0];
	v5 =	vadd.f32 v7, v5  }
0x340: {  	s2 =	sshrl.u32 s21, $0x2;
	v7 =	vld [tilespmem:s20+$0x0];
	v11 =	vadd.f32 v12, v11  }
0x341: {  	s2 =	sor.u32 $0x12800, s2;
	v12 =	vld [tilespmem:s11+$0x0];
	v5 =	vadd.f32 v6, v5  }
0x342: {  	s25 =	sor.u32 s10, s2;
	s11 =	sor.u32 s0, s2;
	s0 =	sor.u32 s12, s2;
	v6 =	vadd.f32 v9, v8;
	v8 =	vld [tilespmem:s23+$0x0]  }
0x343: {  	v9 =	vld [tilespmem:s17+$0x0];
	v4 =	vadd.f32 v10, v4;
	s17 =	sor.u32 s22, s2;
	[tilespmem:s0+$0x80] =	vst v5  }
0x344: {  	v10 =	vld [tilespmem:s24+$0x0];
	v5 =	vadd.f32 v13, v11  }
0x345: {  	v6 =	vadd.f32 v7, v6;
	v13 =	vld [tilespmem:s7+$0x0]  }
0x346: {  	v14 =	vld [tilespmem:s3+$0x0];
	v7 =	vadd.f32 v12, v4  }
.Ltmp19:
0x347: {  	v4 =	vld [tilespmem:s28+$0x0];
	v8 =	vadd.f32 v8, v5;
	(pc) =	sbr.rel @p0 .LBB2_31-.Ltmp19, $4  }
0x348: {  	v9 =	vadd.f32 v9, v6;
	v5 =	vld [tilespmem:s15+$0x0]  }
0x349: {  	v6 =	vld [tilespmem:s29+$0x0];
	v11 =	vadd.f32 v10, v7  }
0x34a: {  	v7 =	vld [tilespmem:s6+$0x0];
	v10 =	vadd.f32 v13, v8  }
0x34b: {  	s5 =	sadd.s32 $0x40, s5;
	s14 =	sadd.s32 $0x200, s14;
	v9 =	vadd.f32 v14, v9;
	v8 =	vld [tilespmem:s31+$0x0]  }
0x34c: {  	v12 =	vld [tilespmem:s26+$0x0]  }
0x34d: {  	v13 =	vld [tilespmem:s13+$0x0]  }
0x34e: {  	v4 =	vadd.f32 v4, v11;
	v63 =	vld [tilespmem:s16+$0x0]  }
0x34f: {  	v5 =	vadd.f32 v5, v10;
	v6 =	vadd.f32 v6, v9  }
0x350: {  	v4 =	vadd.f32 v7, v4  }
0x351: {  	v5 =	vadd.f32 v8, v5;
	v6 =	vadd.f32 v12, v6  }
0x352: {  	v4 =	vadd.f32 v13, v4  }
0x353: {  	v5 =	vadd.f32 v63, v5;
	[tilespmem:s25+$0x80] =	vst v6  }
0x354: {  	p0 =	seq.s32 s18, $0x3F;
	[tilespmem:s11+$0x80] =	vst v4  }
.Ltmp20:
0x355: {  	[tilespmem:s17+$0x80] =	vst v5;
	(pc) =	sbr.rel @p0 .LBB2_34-.Ltmp20, $4  }
0x356: {  	s0 =	rddreg [dreg:$0xb]  }
0x357: {  	s31 =	simm.s32 $0x100;
	s1 =	rddreg [dreg:$0xf]  }
0x358: {  	s2 =	simm.s32 $0x400;
	s3 =	simm.s32 $0x12800;
	s0 =	sadd.s32 s1, s0  }
0x359: {  	[hbm4b:s0+s31] =	stream.strided.scatter [tilespmem:s3], [sflag:$0x8], $0x800, s2, s31, $0x38;
	[tilespmem:$0x13000] =	vst v63  }
0x35a: {  	s0 =	rddreg [dreg:$0xe]  }
0x35b: {  	s0 =	sshrl.u32 s0, $0x2  }
0x35c: {  	v4 =	vld [tilespmem:s0+$0x70];
	_ =	sdelay $0x4  }
0x35d: {  	v5 =	vshll.u32 v4, $0x3  }
0x35e: {  	v4 =	vand.u32 $0x7, v4;
	v5 =	vand.u32 $0xFFFFFFC0, v5  }
0x35f: {  	v4 =	vor.u32 v4, v5  }
0x360: {  	v5 =	vperm.xlane v4, v0;
	_ =	sdelay $0x1  }
0x361: {  	v5 =	vadd.s32 v2, v5;
	_ =	sdelay $0x3  }
0x362: {  	s23 =	rddreg [dreg:$0x0];
	s1 =	simm.s32 $0xD000  }
0x363: {  	[tilespmem:s1], [sflag:$0x4] =	stream.indirect_vreg.gather [hbm4b:s23+s4], $0x80, v5, vm0, $0xb8;
	[tilespmem:$0x13000] =	vst v63  }
0x364: {  	s24 =	rddreg [dreg:$0x6];
	s2 =	simm.s32 $0xD800;
	v4 =	vperm.xlane v4, v3  }
0x365: {  	[tilespmem:s2], [sflag:$0x4] =	stream.indirect_vreg.gather [hbm4b:s24+s4], $0x80, v5, vm0, $0xb8;
	[tilespmem:$0x13000] =	vst v63  }
0x366: {  	s25 =	rddreg [dreg:$0x7];
	s3 =	simm.s32 $0xE000;
	v4 =	vadd.s32 v2, v4  }
0x367: {  	[tilespmem:s3], [sflag:$0x4] =	stream.indirect_vreg.gather [hbm4b:s25+s4], $0x80, v5, vm0, $0xb8;
	[tilespmem:$0x13000] =	vst v63  }
0x368: {  	s26 =	rddreg [dreg:$0x8];
	s5 =	simm.s32 $0xE800  }
0x369: {  	[tilespmem:s5], [sflag:$0x4] =	stream.indirect_vreg.gather [hbm4b:s26+s4], $0x80, v5, vm0, $0xb8;
	[tilespmem:$0x13000] =	vst v63  }
0x36a: {  	s28 =	simm.s32 $0xF000  }
0x36b: {  	[tilespmem:s28], [sflag:$0x4] =	stream.indirect_vreg.gather [hbm4b:s23+s4], $0x80, v4, vm0, $0xb8;
	[tilespmem:$0x13000] =	vst v63  }
0x36c: {  	s29 =	simm.s32 $0xF800  }
0x36d: {  	[tilespmem:s29], [sflag:$0x4] =	stream.indirect_vreg.gather [hbm4b:s24+s4], $0x80, v4, vm0, $0xb8;
	[tilespmem:$0x13000] =	vst v63  }
.Ltmp21:
0x36e: {  	_ = 	snop;
	(pc) =	sbr.rel .LBB2_4-.Ltmp21, $4  }
0x36f: {  	s30 =	simm.s32 $0x10000  }
0x370: {  	[tilespmem:s30], [sflag:$0x4] =	stream.indirect_vreg.gather [hbm4b:s25+s4], $0x80, v4, vm0, $0xb8;
	[tilespmem:$0x13000] =	vst v63  }
0x371: {  	s31 =	simm.s32 $0x10800;
	s18 =	sadd.s32 $0x1, s18  }
0x372: {  	[tilespmem:s31], [sflag:$0x4] =	stream.indirect_vreg.gather [hbm4b:s26+s4], $0x80, v4, vm0, $0xb8;
	[tilespmem:$0x13000] =	vst v63  }
.LBB2_35:
0x373: {  	_ =	sfence.sel $0x180000  }
0x374: {  	[bflag:$0x0] =	sbarrier.arrive $0xFFFF  }
0x375: {  	_ =	strace $0x90000047  }
0x376: {  	s0 =	stileid.u32;
	[bflag:$0x2] =	sbarrier.arrive $0xFFFF  }
0x377: {  	p0 =	sne.s32 s0, $0x0;
	s0 =	rddreg [dreg:$0x3]  }
0x378: {  	s0 =	sadd.s32 @!p0 $0x100000, s0  }
0x379: {  	[sflag:s0] =	ssyncadd.tile.s32 @!p0 $0x1;
	_ =	shalt  }
.Lfunc_end2:
_tile_overlayer_lowered:
.L_overlay_start_2:
0x37a: {  	(tag) =	ssettag $0x2  }
0x37b: {  	s0 =	rddreg [dreg:$0x0];
	s2 =	stileid.u32  }
0x37c: {  	s1 =	rddreg [dreg:$0x1];
	p0 =	sne.s32 s2, $0x0  }
0x37d: {  	s3 =	rddreg [dreg:$0x2];
	[bflag:$0x3] =	sbarrier.arrive $0xFFFF;
	s2 =	simm.s32 @!p0 $0x1C09  }
0x37e: {  	[timem:s3], [sflag:s2] =	dma.local @!p0 [hbm:s0], s1  }
0x37f: {  	s0 =	simm.s32 @!p0 $0x9  }
0x380: {  	_ =	swait.ge @!p0 [sflag:s0], s1  }
0x381: {  	s1 =	ssub.s32 @!p0 $0x0, s1;
	[sflag:s0] =	ssyncset.done @!p0 $0x0  }
0x382: {  	[sflag:s0] =	ssyncadd.s32 @!p0 s1  }
0x383: {  	[bflag:$0x3] =	sbarrier.arrive $0xFFFF  }
0x384: {  	_ =	shalt  }

</sc_bundles>
